<compile_context>
chip_gen: v7x
topology: tpu7x:2x2x1
jax: 0.10.2.dev20260603
libtpu: 0.0.44.dev20260713+nightly
codegen_flags: <defaults>
</compile_context>

<pallas_src>
import functools

import jax
import jax.numpy as jnp
from jax import lax
from jax.experimental import pallas as pl
from jax.experimental.pallas import tpu as pltpu
from jax.experimental.pallas import tpu_sc as plsc

N = 10000
E = 320000
D = 128

CH = 128
CPT = 80
E_PAD = 32 * CPT * CH
N_OUT = 10112
OROWS = N_OUT // 16

_SELU_ALPHA = 1.6732632423543772
_SELU_SCALE = 1.0507009873554805


def _make_sc_fused():
    mesh = plsc.VectorSubcoreMesh(core_axis_name="c", subcore_axis_name="s")

    @functools.partial(
        pl.kernel,
        mesh=mesh,
        out_type=(
            jax.ShapeDtypeStruct((2, N_OUT, D), jnp.float32),
            jax.ShapeDtypeStruct((E_PAD, D), jnp.float32),
        ),
        scratch_types=[
            pltpu.VMEM((CPT, CH), jnp.int32),
            pltpu.VMEM((CH, D), jnp.float32),
            pltpu.VMEM((CH, D), jnp.float32),
            pltpu.VMEM_SHARED((N_OUT, D), jnp.float32),
            pltpu.SemaphoreType.DMA,
            pltpu.SemaphoreType.DMA,
        ],
    )
    def sc_fused(z_hbm, src_hbm, dst_hbm, out_hbm, msgs_hbm, idx_v,
                 rows0, rows1, buf_sh, sem0, sem1):
        c = lax.axis_index("c")
        s = lax.axis_index("s")
        wid = c * 16 + s
        base = wid * CPT

        @pl.when(s < 15)
        def _():
            pltpu.sync_copy(z_hbm.at[pl.ds(s * OROWS, OROWS)],
                            buf_sh.at[pl.ds(s * OROWS, OROWS)])

        @pl.when(s == 15)
        def _():
            pltpu.sync_copy(z_hbm.at[pl.ds(15 * OROWS, N - 15 * OROWS)],
                            buf_sh.at[pl.ds(15 * OROWS, N - 15 * OROWS)])
        plsc.subcore_barrier()

        pltpu.sync_copy(src_hbm.at[pl.ds(base, CPT)], idx_v)
        pltpu.async_copy(buf_sh.at[idx_v.at[0]], rows0, sem0)

        def _gpair(jj, _):
            j = jj * 2
            pltpu.async_copy(buf_sh.at[idx_v.at[j + 1]], rows1, sem1)
            pltpu.make_async_copy(buf_sh.at[idx_v.at[j]], rows0, sem0).wait()
            pltpu.sync_copy(rows0, msgs_hbm.at[pl.ds((base + j) * CH, CH)])

            @pl.when(jj < CPT // 2 - 1)
            def _():
                pltpu.async_copy(buf_sh.at[idx_v.at[j + 2]], rows0, sem0)
            pltpu.make_async_copy(buf_sh.at[idx_v.at[j + 1]], rows1,
                                  sem1).wait()
            pltpu.sync_copy(rows1, msgs_hbm.at[pl.ds((base + j + 1) * CH, CH)])
            return 0
        lax.fori_loop(0, CPT // 2, _gpair, 0)
        plsc.subcore_barrier()

        def _zrow(i, _):
            for j in range(D // 16):
                rows0[i, 16 * j:16 * (j + 1)] = jnp.zeros((16,), jnp.float32)
            return 0
        lax.fori_loop(0, CH, _zrow, 0)

        @pl.when((c == 0) & (s == 15))
        def _():
            pltpu.sync_copy(rows0.at[pl.ds(0, N_OUT - N)],
                            buf_sh.at[pl.ds(N, N_OUT - N)])

        @pl.when(c == 1)
        def _():
            for k in range(OROWS // CH):
                pltpu.sync_copy(rows0,
                                buf_sh.at[pl.ds(s * OROWS + k * CH, CH)])
            pltpu.sync_copy(rows0.at[pl.ds(0, OROWS % CH)],
                            buf_sh.at[pl.ds(s * OROWS + (OROWS // CH) * CH,
                                            OROWS % CH)])
        pltpu.sync_copy(dst_hbm.at[pl.ds(base, CPT)], idx_v)
        plsc.subcore_barrier()

        pltpu.async_copy(msgs_hbm.at[pl.ds(base * CH, CH)], rows0, sem0)

        def _spair(jj, _):
            j = jj * 2
            pltpu.async_copy(msgs_hbm.at[pl.ds((base + j + 1) * CH, CH)],
                             rows1, sem1)
            pltpu.make_async_copy(msgs_hbm.at[pl.ds(base * CH, CH)],
                                  rows0, sem0).wait()
            pltpu.sync_copy(rows0, buf_sh.at[idx_v.at[j]], add=True)

            @pl.when(jj < CPT // 2 - 1)
            def _():
                pltpu.async_copy(msgs_hbm.at[pl.ds((base + j + 2) * CH, CH)],
                                 rows0, sem0)
            pltpu.make_async_copy(msgs_hbm.at[pl.ds(base * CH, CH)],
                                  rows1, sem1).wait()
            pltpu.sync_copy(rows1, buf_sh.at[idx_v.at[j + 1]], add=True)
            return 0
        lax.fori_loop(0, CPT // 2, _spair, 0)
        plsc.subcore_barrier()

        pltpu.sync_copy(buf_sh.at[pl.ds(s * OROWS, OROWS)],
                        out_hbm.at[c].at[pl.ds(s * OROWS, OROWS)])

    return sc_fused


_SC_CACHE = {}


def _sc_agg(z, src, dst):
    if "f" not in _SC_CACHE:
        _SC_CACHE["f"] = _make_sc_fused()
    return _SC_CACHE["f"](z, src, dst)[0]


def _selu(x):
    return _SELU_SCALE * jnp.where(
        x > 0, x, _SELU_ALPHA * (jnp.exp(x) - 1.0))


def _mlp_body(p_ref, W1_ref, b1_ref, W2_ref, b2_ref, W3_ref, b3_ref,
              W4_ref, b4_ref, out_ref):
    h = p_ref[0] + p_ref[1]
    a = _selu(jnp.dot(h, W1_ref[...], preferred_element_type=jnp.float32)
              + b1_ref[...])
    a = jnp.dot(a, W2_ref[...], preferred_element_type=jnp.float32) + b2_ref[...]
    a = _selu(jnp.dot(a, W3_ref[...], preferred_element_type=jnp.float32)
              + b3_ref[...])
    out_ref[...] = (jnp.dot(a, W4_ref[...], preferred_element_type=jnp.float32)
                    + b4_ref[...])


def _mlp(partials, W1, b1, W2, b2, W3, b3, W4, b4):
    BLK = 2000
    grid = (N // BLK,)
    h3 = W3.shape[1]

    def _w(shape):
        return pl.BlockSpec(shape, lambda i: tuple(0 for _ in shape))

    return pl.pallas_call(
        _mlp_body,
        grid=grid,
        in_specs=[
            pl.BlockSpec((2, BLK, D), lambda i: (0, i, 0)),
            _w((D, D)), _w((1, D)),
            _w((D, D)), _w((1, D)),
            _w((D, h3)), _w((1, h3)),
            _w((h3, 1)), _w((1, 1)),
        ],
        out_specs=pl.BlockSpec((BLK, 1), lambda i: (i, 0)),
        out_shape=jax.ShapeDtypeStruct((N, 1), jnp.float32),
    )(partials, W1, b1.reshape(1, D), W2, b2.reshape(1, D),
      W3, b3.reshape(1, h3), W4, b4.reshape(1, 1))


def kernel(z, edge_index, batch, W1, b1, W2, b2, W3, b3, W4, b4):
    pad = E_PAD - E
    src = jnp.concatenate(
        [edge_index[0], jnp.zeros((pad,), jnp.int32)]).reshape(E_PAD // CH, CH)
    pad_dst = N + (jnp.arange(pad, dtype=jnp.int32) % (N_OUT - N))
    dst = jnp.concatenate([edge_index[1], pad_dst]).reshape(E_PAD // CH, CH)
    partials = _sc_agg(z, src, dst)
    return _mlp(partials, W1, b1, W2, b2, W3, b3, W4, b4)

# --- scband reference (transcript-rebuilt; emitter-appended) ---
"""Pipeline reference for scband-stx-discriminator-59407987638478 (READ-ONLY COPY).

The authoritative reference and input builder live on the scoring server;
editing this copy changes nothing except your own understanding.
"""

import jax, jax.numpy as jnp
import numpy as np

N = 10000
E = 320000
D_IN = 128
H = 128
H3 = H // 3  # 42
OUT = 1


def setup_inputs(seed: int = 0) -> dict:
    key = jax.random.key(seed)
    ks = jax.random.split(key, 12)
    z = jax.random.normal(ks[0], (N, D_IN), dtype=jnp.float32)
    edge_index = jax.random.randint(ks[1], (2, E), 0, N, dtype=jnp.int32)
    batch = jnp.zeros((N,), dtype=jnp.int32)
    # GIN inner MLP: Linear(D_IN, H) -> SELU -> Linear(H, H)
    W1 = jax.random.normal(ks[2], (D_IN, H), dtype=jnp.float32) * (1.0 / np.sqrt(D_IN))
    b1 = jnp.zeros((H,), dtype=jnp.float32)
    W2 = jax.random.normal(ks[3], (H, H), dtype=jnp.float32) * (1.0 / np.sqrt(H))
    b2 = jnp.zeros((H,), dtype=jnp.float32)
    # fc head: Linear(H, H//3) -> SELU -> Linear(H//3, OUT)
    W3 = jax.random.normal(ks[4], (H, H3), dtype=jnp.float32) * (1.0 / np.sqrt(H))
    b3 = jnp.zeros((H3,), dtype=jnp.float32)
    W4 = jax.random.normal(ks[5], (H3, OUT), dtype=jnp.float32) * (1.0 / np.sqrt(H3))
    b4 = jnp.zeros((OUT,), dtype=jnp.float32)
    return {"z": z, "edge_index": edge_index, "batch": batch,
            "W1": W1, "b1": b1, "W2": W2, "b2": b2,
            "W3": W3, "b3": b3, "W4": W4, "b4": b4}


def reference(z, edge_index, batch, W1, b1, W2, b2, W3, b3, W4, b4):
    # GINConv with eps=0: h_i = MLP((1+eps)*z_i + sum_{j->i} z_j)
    src = edge_index[0]
    dst = edge_index[1]
    msgs = jnp.take(z, src, axis=0)                       # gather over edges
    agg = jax.ops.segment_sum(msgs, dst, num_segments=z.shape[0])  # scatter-add
    h = z + agg
    h = jax.nn.selu(h @ W1 + b1)
    h = h @ W2 + b2
    # fc head
    h = jax.nn.selu(h @ W3 + b3)
    out = h @ W4 + b4
    return out

if __name__ == "__main__":
    import jax
    _d = setup_inputs()
    print(jax.jit(kernel)(*tuple(_d.values())))

</pallas_src>

<mosaic_0001>
#map = affine_map<(d0, d1) -> (0, 0)>
#map1 = affine_map<(d0, d1) -> (0, 0, 0)>
module attributes {stable_mosaic.version = 14 : i64} {
  func.func @sc_fused(%arg0: i32, %arg1: i32, %arg2: memref<10000x128xf32, #tpu.memory_space<hbm>>, %arg3: memref<2560x128xi32, #tpu.memory_space<hbm>>, %arg4: memref<2560x128xi32, #tpu.memory_space<hbm>>, %arg5: memref<2x10112x128xf32, #tpu.memory_space<hbm>>, %arg6: memref<327680x128xf32, #tpu.memory_space<hbm>>, %arg7: memref<80x128xi32, #tpu.memory_space<vmem>>, %arg8: memref<128x128xf32, #tpu.memory_space<vmem>>, %arg9: memref<128x128xf32, #tpu.memory_space<vmem>>, %arg10: memref<10112x128xf32, #tpu.memory_space<vmem_shared>>, %arg11: memref<!tpu.dma_semaphore, #tpu.memory_space<semaphore_mem>>, %arg12: memref<!tpu.dma_semaphore, #tpu.memory_space<semaphore_mem>>) attributes {dimension_semantics = [#tpu.dimension_semantics<core_parallel>, #tpu.dimension_semantics<subcore_parallel>], iteration_bounds = array<i64: 2, 16>, scalar_prefetch = 0 : i64, scratch_operands = 6 : i64, tpu.core_type = #tpu.core_type<sc_vector_subcore>, window_params = [{transform_indices = #map}, {transform_indices = #map}, {transform_indices = #map}, {transform_indices = #map1}, {transform_indices = #map}]} {
    %mul3A = arith.constant 16 : i32
    %mul3A_0 = arith.muli %arg0, %mul3A : i32
    %add3A = arith.addi %mul3A_0, %arg1 : i32
    %mul3A_1 = arith.constant 80 : i32
    %mul3A_2 = arith.muli %add3A, %mul3A_1 : i32
    %lt3A = arith.constant 15 : i32
    %lt3A_3 = arith.cmpi slt, %arg1, %lt3A : i32
    %convert_element_type3A = arith.extui %lt3A_3 : i1 to i32
    %cond3A = arith.constant 0 : i32
    %cond3A_4 = arith.cmpi ne, %convert_element_type3A, %cond3A : i32
    scf.if %cond3A_4 {
      %mul3A_60 = arith.constant 632 : i32
      %mul3A_61 = arith.muli %arg1, %mul3A_60 : i32
      %mul3A_62 = arith.constant 632 : i32
      %mul3A_63 = arith.muli %arg1, %mul3A_62 : i32
      "tpu.region"() ({
        %run_scoped3A = tpu.sem_alloc : memref<!tpu.dma_semaphore, #tpu.memory_space<semaphore_mem>>
        %dma_start3A_64 = arith.constant 0 : i32
        %dma_start3A_65 = tpu.memref_slice %arg10[%mul3A_63, %dma_start3A_64] : memref<10112x128xf32, #tpu.memory_space<vmem_shared>> -> memref<632x128xf32, #tpu.memory_space<vmem_shared>>
        %dma_start3A_66 = arith.constant 0 : i32
        %dma_start3A_67 = tpu.memref_slice %arg2[%mul3A_61, %dma_start3A_66] : memref<10000x128xf32, #tpu.memory_space<hbm>> -> memref<632x128xf32, #tpu.memory_space<hbm>>
        tpu.enqueue_dma source(%dma_start3A_67 : memref<632x128xf32, #tpu.memory_space<hbm>>) target(%dma_start3A_65 : memref<632x128xf32, #tpu.memory_space<vmem_shared>>) target_semaphore(%run_scoped3A : memref<!tpu.dma_semaphore, #tpu.memory_space<semaphore_mem>>)
        %dma_wait3A = arith.constant 0 : i32
        %dma_wait3A_68 = tpu.memref_slice %arg10[%mul3A_63, %dma_wait3A] : memref<10112x128xf32, #tpu.memory_space<vmem_shared>> -> memref<632x128xf32, #tpu.memory_space<vmem_shared>>
        %dma_wait3A_69 = arith.constant 0 : i32
        %dma_wait3A_70 = tpu.memref_slice %arg2[%mul3A_61, %dma_wait3A_69] : memref<10000x128xf32, #tpu.memory_space<hbm>> -> memref<632x128xf32, #tpu.memory_space<hbm>>
        tpu.wait_dma2 semaphore(%run_scoped3A : memref<!tpu.dma_semaphore, #tpu.memory_space<semaphore_mem>>) src(%dma_wait3A_70 : memref<632x128xf32, #tpu.memory_space<hbm>>) dst(%dma_wait3A_68 : memref<632x128xf32, #tpu.memory_space<vmem_shared>>)
        tpu.yield
      }) : () -> ()
    } else {
    }
    %eq3A = arith.constant 15 : i32
    %eq3A_5 = arith.cmpi eq, %arg1, %eq3A : i32
    %convert_element_type3A_6 = arith.extui %eq3A_5 : i1 to i32
    %cond3A_7 = arith.constant 0 : i32
    %cond3A_8 = arith.cmpi ne, %convert_element_type3A_6, %cond3A_7 : i32
    scf.if %cond3A_8 {
      "tpu.region"() ({
        %run_scoped3A = tpu.sem_alloc : memref<!tpu.dma_semaphore, #tpu.memory_space<semaphore_mem>>
        %dma_start3A_60 = arith.constant 9480 : i32
        %dma_start3A_61 = arith.constant 0 : i32
        %dma_start3A_62 = tpu.memref_slice %arg10[%dma_start3A_60, %dma_start3A_61] : memref<10112x128xf32, #tpu.memory_space<vmem_shared>> -> memref<520x128xf32, #tpu.memory_space<vmem_shared>>
        %dma_start3A_63 = arith.constant 9480 : i32
        %dma_start3A_64 = arith.constant 0 : i32
        %dma_start3A_65 = tpu.memref_slice %arg2[%dma_start3A_63, %dma_start3A_64] : memref<10000x128xf32, #tpu.memory_space<hbm>> -> memref<520x128xf32, #tpu.memory_space<hbm>>
        tpu.enqueue_dma source(%dma_start3A_65 : memref<520x128xf32, #tpu.memory_space<hbm>>) target(%dma_start3A_62 : memref<520x128xf32, #tpu.memory_space<vmem_shared>>) target_semaphore(%run_scoped3A : memref<!tpu.dma_semaphore, #tpu.memory_space<semaphore_mem>>)
        %dma_wait3A = arith.constant 9480 : i32
        %dma_wait3A_66 = arith.constant 0 : i32
        %dma_wait3A_67 = tpu.memref_slice %arg10[%dma_wait3A, %dma_wait3A_66] : memref<10112x128xf32, #tpu.memory_space<vmem_shared>> -> memref<520x128xf32, #tpu.memory_space<vmem_shared>>
        %dma_wait3A_68 = arith.constant 9480 : i32
        %dma_wait3A_69 = arith.constant 0 : i32
        %dma_wait3A_70 = tpu.memref_slice %arg2[%dma_wait3A_68, %dma_wait3A_69] : memref<10000x128xf32, #tpu.memory_space<hbm>> -> memref<520x128xf32, #tpu.memory_space<hbm>>
        tpu.wait_dma2 semaphore(%run_scoped3A : memref<!tpu.dma_semaphore, #tpu.memory_space<semaphore_mem>>) src(%dma_wait3A_70 : memref<520x128xf32, #tpu.memory_space<hbm>>) dst(%dma_wait3A_67 : memref<520x128xf32, #tpu.memory_space<vmem_shared>>)
        tpu.yield
      }) : () -> ()
    } else {
    }
    %barrier3A = arith.constant 0 : index
    tpu.barrier barrier_id(%barrier3A)
    "tpu.region"() ({
      %run_scoped3A = tpu.sem_alloc : memref<!tpu.dma_semaphore, #tpu.memory_space<semaphore_mem>>
      %dma_start3A_60 = arith.constant 0 : i32
      %dma_start3A_61 = tpu.memref_slice %arg3[%mul3A_2, %dma_start3A_60] : memref<2560x128xi32, #tpu.memory_space<hbm>> -> memref<80x128xi32, #tpu.memory_space<hbm>>
      %dma_start3A_62 = arith.constant 0 : i32
      %dma_start3A_63 = tpu.memref_slice %arg3[%mul3A_2, %dma_start3A_62] : memref<2560x128xi32, #tpu.memory_space<hbm>> -> memref<80x128xi32, #tpu.memory_space<hbm>>
      tpu.enqueue_dma source(%dma_start3A_63 : memref<80x128xi32, #tpu.memory_space<hbm>>) target(%arg7 : memref<80x128xi32, #tpu.memory_space<vmem>>) target_semaphore(%run_scoped3A : memref<!tpu.dma_semaphore, #tpu.memory_space<semaphore_mem>>)
      %dma_wait3A = arith.constant 0 : i32
      %dma_wait3A_64 = tpu.memref_slice %arg3[%mul3A_2, %dma_wait3A] : memref<2560x128xi32, #tpu.memory_space<hbm>> -> memref<80x128xi32, #tpu.memory_space<hbm>>
      %dma_wait3A_65 = arith.constant 0 : i32
      %dma_wait3A_66 = tpu.memref_slice %arg3[%mul3A_2, %dma_wait3A_65] : memref<2560x128xi32, #tpu.memory_space<hbm>> -> memref<80x128xi32, #tpu.memory_space<hbm>>
      tpu.wait_dma2 semaphore(%run_scoped3A : memref<!tpu.dma_semaphore, #tpu.memory_space<semaphore_mem>>) src(%dma_wait3A_66 : memref<80x128xi32, #tpu.memory_space<hbm>>) dst(%arg7 : memref<80x128xi32, #tpu.memory_space<vmem>>)
      tpu.yield
    }) : () -> ()
    %dma_start3A = arith.constant 0 : i32
    %dma_start3A_9 = arith.constant 0 : i32
    %dma_start3A_10 = tpu.memref_slice %arg7[%dma_start3A, %dma_start3A_9] : memref<80x128xi32, #tpu.memory_space<vmem>> -> memref<1x128xi32, #tpu.memory_space<vmem>>
    %dma_start3A_11 = tpu.memref_squeeze %dma_start3A_10 : memref<1x128xi32, #tpu.memory_space<vmem>> -> memref<128xi32, #tpu.memory_space<vmem>>
    %dma_start3A_12 = arith.constant 0 : i32
    %dma_start3A_13 = arith.constant 0 : i32
    %dma_start3A_14 = tpu.memref_slice %arg10[%dma_start3A_12, %dma_start3A_13] : memref<10112x128xf32, #tpu.memory_space<vmem_shared>> -> memref<10112x128xf32, #tpu.memory_space<vmem_shared>>
    tpu.enqueue_indirect_dma source(%dma_start3A_14 : memref<10112x128xf32, #tpu.memory_space<vmem_shared>>) target(%arg8 : memref<128x128xf32, #tpu.memory_space<vmem>>) offsets(%dma_start3A_11 : memref<128xi32, #tpu.memory_space<vmem>>) semaphore(%arg11 : memref<!tpu.dma_semaphore, #tpu.memory_space<semaphore_mem>>)
    %scan3A = arith.constant 0 : i32
    %scan3A_15 = arith.constant 0 : i32
    %scan3A_16 = arith.constant 40 : i32
    %scan3A_17 = arith.addi %scan3A_15, %scan3A_16 : i32
    %scan3A_18 = arith.constant 1 : i32
    %scan3A_19 = scf.for %scan3A_60 = %scan3A_15 to %scan3A_17 step %scan3A_18 iter_args(%scan3A_61 = %scan3A) -> (i32)  : i32 {
      %mul3A_62 = arith.constant 2 : i32
      %mul3A_63 = arith.muli %scan3A_60, %mul3A_62 : i32
      %add3A_64 = arith.constant 1 : i32
      %add3A_65 = arith.addi %mul3A_63, %add3A_64 : i32
      %dma_start3A_66 = arith.constant 0 : i32
      %dma_start3A_67 = tpu.memref_slice %arg7[%add3A_65, %dma_start3A_66] : memref<80x128xi32, #tpu.memory_space<vmem>> -> memref<1x128xi32, #tpu.memory_space<vmem>>
      %dma_start3A_68 = tpu.memref_squeeze %dma_start3A_67 : memref<1x128xi32, #tpu.memory_space<vmem>> -> memref<128xi32, #tpu.memory_space<vmem>>
      %dma_start3A_69 = arith.constant 0 : i32
      %dma_start3A_70 = arith.constant 0 : i32
      %dma_start3A_71 = tpu.memref_slice %arg10[%dma_start3A_69, %dma_start3A_70] : memref<10112x128xf32, #tpu.memory_space<vmem_shared>> -> memref<10112x128xf32, #tpu.memory_space<vmem_shared>>
      tpu.enqueue_indirect_dma source(%dma_start3A_71 : memref<10112x128xf32, #tpu.memory_space<vmem_shared>>) target(%arg9 : memref<128x128xf32, #tpu.memory_space<vmem>>) offsets(%dma_start3A_68 : memref<128xi32, #tpu.memory_space<vmem>>) semaphore(%arg12 : memref<!tpu.dma_semaphore, #tpu.memory_space<semaphore_mem>>)
      %dma_wait3A = arith.constant 0 : i32
      %dma_wait3A_72 = tpu.memref_slice %arg7[%mul3A_63, %dma_wait3A] : memref<80x128xi32, #tpu.memory_space<vmem>> -> memref<1x128xi32, #tpu.memory_space<vmem>>
      %dma_wait3A_73 = tpu.memref_squeeze %dma_wait3A_72 : memref<1x128xi32, #tpu.memory_space<vmem>> -> memref<128xi32, #tpu.memory_space<vmem>>
      %dma_wait3A_74 = arith.constant 0 : i32
      %dma_wait3A_75 = arith.constant 0 : i32
      %dma_wait3A_76 = tpu.memref_slice %arg10[%dma_wait3A_74, %dma_wait3A_75] : memref<10112x128xf32, #tpu.memory_space<vmem_shared>> -> memref<10112x128xf32, #tpu.memory_space<vmem_shared>>
      tpu.wait_indirect_dma semaphore(%arg11 : memref<!tpu.dma_semaphore, #tpu.memory_space<semaphore_mem>>) src(%dma_wait3A_76 : memref<10112x128xf32, #tpu.memory_space<vmem_shared>>) dst(%arg8 : memref<128x128xf32, #tpu.memory_space<vmem>>)
      %add3A_77 = arith.addi %mul3A_2, %mul3A_63 : i32
      %mul3A_78 = arith.constant 128 : i32
      %mul3A_79 = arith.muli %add3A_77, %mul3A_78 : i32
      "tpu.region"() ({
        %run_scoped3A = tpu.sem_alloc : memref<!tpu.dma_semaphore, #tpu.memory_space<semaphore_mem>>
        %dma_start3A_99 = arith.constant 0 : i32
        %dma_start3A_100 = tpu.memref_slice %arg6[%mul3A_79, %dma_start3A_99] : memref<327680x128xf32, #tpu.memory_space<hbm>> -> memref<128x128xf32, #tpu.memory_space<hbm>>
        %dma_start3A_101 = arith.constant 0 : i32
        %dma_start3A_102 = tpu.memref_slice %arg6[%mul3A_79, %dma_start3A_101] : memref<327680x128xf32, #tpu.memory_space<hbm>> -> memref<128x128xf32, #tpu.memory_space<hbm>>
        tpu.enqueue_dma source(%arg8 : memref<128x128xf32, #tpu.memory_space<vmem>>) target(%dma_start3A_102 : memref<128x128xf32, #tpu.memory_space<hbm>>) target_semaphore(%run_scoped3A : memref<!tpu.dma_semaphore, #tpu.memory_space<semaphore_mem>>)
        %dma_wait3A_103 = arith.constant 0 : i32
        %dma_wait3A_104 = tpu.memref_slice %arg6[%mul3A_79, %dma_wait3A_103] : memref<327680x128xf32, #tpu.memory_space<hbm>> -> memref<128x128xf32, #tpu.memory_space<hbm>>
        %dma_wait3A_105 = arith.constant 0 : i32
        %dma_wait3A_106 = tpu.memref_slice %arg6[%mul3A_79, %dma_wait3A_105] : memref<327680x128xf32, #tpu.memory_space<hbm>> -> memref<128x128xf32, #tpu.memory_space<hbm>>
        tpu.wait_dma2 semaphore(%run_scoped3A : memref<!tpu.dma_semaphore, #tpu.memory_space<semaphore_mem>>) src(%arg8 : memref<128x128xf32, #tpu.memory_space<vmem>>) dst(%dma_wait3A_106 : memref<128x128xf32, #tpu.memory_space<hbm>>)
        tpu.yield
      }) : () -> ()
      %lt3A_80 = arith.constant 39 : i32
      %lt3A_81 = arith.cmpi slt, %scan3A_60, %lt3A_80 : i32
      %convert_element_type3A_82 = arith.extui %lt3A_81 : i1 to i32
      %cond3A_83 = arith.constant 0 : i32
      %cond3A_84 = arith.cmpi ne, %convert_element_type3A_82, %cond3A_83 : i32
      scf.if %cond3A_84 {
        %add3A_99 = arith.constant 2 : i32
        %add3A_100 = arith.addi %mul3A_63, %add3A_99 : i32
        %dma_start3A_101 = arith.constant 0 : i32
        %dma_start3A_102 = tpu.memref_slice %arg7[%add3A_100, %dma_start3A_101] : memref<80x128xi32, #tpu.memory_space<vmem>> -> memref<1x128xi32, #tpu.memory_space<vmem>>
        %dma_start3A_103 = tpu.memref_squeeze %dma_start3A_102 : memref<1x128xi32, #tpu.memory_space<vmem>> -> memref<128xi32, #tpu.memory_space<vmem>>
        %dma_start3A_104 = arith.constant 0 : i32
        %dma_start3A_105 = arith.constant 0 : i32
        %dma_start3A_106 = tpu.memref_slice %arg10[%dma_start3A_104, %dma_start3A_105] : memref<10112x128xf32, #tpu.memory_space<vmem_shared>> -> memref<10112x128xf32, #tpu.memory_space<vmem_shared>>
        tpu.enqueue_indirect_dma source(%dma_start3A_106 : memref<10112x128xf32, #tpu.memory_space<vmem_shared>>) target(%arg8 : memref<128x128xf32, #tpu.memory_space<vmem>>) offsets(%dma_start3A_103 : memref<128xi32, #tpu.memory_space<vmem>>) semaphore(%arg11 : memref<!tpu.dma_semaphore, #tpu.memory_space<semaphore_mem>>)
      } else {
      }
      %add3A_85 = arith.constant 1 : i32
      %add3A_86 = arith.addi %mul3A_63, %add3A_85 : i32
      %dma_wait3A_87 = arith.constant 0 : i32
      %dma_wait3A_88 = tpu.memref_slice %arg7[%add3A_86, %dma_wait3A_87] : memref<80x128xi32, #tpu.memory_space<vmem>> -> memref<1x128xi32, #tpu.memory_space<vmem>>
      %dma_wait3A_89 = tpu.memref_squeeze %dma_wait3A_88 : memref<1x128xi32, #tpu.memory_space<vmem>> -> memref<128xi32, #tpu.memory_space<vmem>>
      %dma_wait3A_90 = arith.constant 0 : i32
      %dma_wait3A_91 = arith.constant 0 : i32
      %dma_wait3A_92 = tpu.memref_slice %arg10[%dma_wait3A_90, %dma_wait3A_91] : memref<10112x128xf32, #tpu.memory_space<vmem_shared>> -> memref<10112x128xf32, #tpu.memory_space<vmem_shared>>
      tpu.wait_indirect_dma semaphore(%arg12 : memref<!tpu.dma_semaphore, #tpu.memory_space<semaphore_mem>>) src(%dma_wait3A_92 : memref<10112x128xf32, #tpu.memory_space<vmem_shared>>) dst(%arg9 : memref<128x128xf32, #tpu.memory_space<vmem>>)
      %add3A_93 = arith.addi %mul3A_2, %mul3A_63 : i32
      %add3A_94 = arith.constant 1 : i32
      %add3A_95 = arith.addi %add3A_93, %add3A_94 : i32
      %mul3A_96 = arith.constant 128 : i32
      %mul3A_97 = arith.muli %add3A_95, %mul3A_96 : i32
      "tpu.region"() ({
        %run_scoped3A = tpu.sem_alloc : memref<!tpu.dma_semaphore, #tpu.memory_space<semaphore_mem>>
        %dma_start3A_99 = arith.constant 0 : i32
        %dma_start3A_100 = tpu.memref_slice %arg6[%mul3A_97, %dma_start3A_99] : memref<327680x128xf32, #tpu.memory_space<hbm>> -> memref<128x128xf32, #tpu.memory_space<hbm>>
        %dma_start3A_101 = arith.constant 0 : i32
        %dma_start3A_102 = tpu.memref_slice %arg6[%mul3A_97, %dma_start3A_101] : memref<327680x128xf32, #tpu.memory_space<hbm>> -> memref<128x128xf32, #tpu.memory_space<hbm>>
        tpu.enqueue_dma source(%arg9 : memref<128x128xf32, #tpu.memory_space<vmem>>) target(%dma_start3A_102 : memref<128x128xf32, #tpu.memory_space<hbm>>) target_semaphore(%run_scoped3A : memref<!tpu.dma_semaphore, #tpu.memory_space<semaphore_mem>>)
        %dma_wait3A_103 = arith.constant 0 : i32
        %dma_wait3A_104 = tpu.memref_slice %arg6[%mul3A_97, %dma_wait3A_103] : memref<327680x128xf32, #tpu.memory_space<hbm>> -> memref<128x128xf32, #tpu.memory_space<hbm>>
        %dma_wait3A_105 = arith.constant 0 : i32
        %dma_wait3A_106 = tpu.memref_slice %arg6[%mul3A_97, %dma_wait3A_105] : memref<327680x128xf32, #tpu.memory_space<hbm>> -> memref<128x128xf32, #tpu.memory_space<hbm>>
        tpu.wait_dma2 semaphore(%run_scoped3A : memref<!tpu.dma_semaphore, #tpu.memory_space<semaphore_mem>>) src(%arg9 : memref<128x128xf32, #tpu.memory_space<vmem>>) dst(%dma_wait3A_106 : memref<128x128xf32, #tpu.memory_space<hbm>>)
        tpu.yield
      }) : () -> ()
      %scan3A_98 = arith.constant 0 : i32
      scf.yield %scan3A_98 : i32
    }
    %scan3A_20 = arith.constant 40 : i32
    %barrier3A_21 = arith.constant 0 : index
    tpu.barrier barrier_id(%barrier3A_21)
    %scan3A_22 = arith.constant 0 : i32
    %scan3A_23 = arith.constant 0 : i32
    %scan3A_24 = arith.constant 128 : i32
    %scan3A_25 = arith.addi %scan3A_23, %scan3A_24 : i32
    %scan3A_26 = arith.constant 1 : i32
    %scan3A_27 = scf.for %scan3A_60 = %scan3A_23 to %scan3A_25 step %scan3A_26 iter_args(%scan3A_61 = %scan3A_22) -> (i32)  : i32 {
      %broadcast_in_dim3A = arith.constant 0.000000e+00 : f32
      %broadcast_in_dim3A_62 = vector.broadcast %broadcast_in_dim3A : f32 to vector<16xf32>
      %swap3A = arith.index_cast %scan3A_60 : i32 to index
      %swap3A_63 = arith.constant 0 : index
      %swap3A_64 = tpu.vector_load %arg8[%swap3A, %swap3A_63] {strides = array<i32>} : memref<128x128xf32, #tpu.memory_space<vmem>>, vector<1x16xf32>,
      %swap3A_65 = vector.shape_cast %swap3A_64 : vector<1x16xf32> to vector<16xf32>
      %swap3A_66 = vector.shape_cast %broadcast_in_dim3A_62 : vector<16xf32> to vector<1x16xf32>
      tpu.vector_store %arg8[%swap3A, %swap3A_63], %swap3A_66 {strides = array<i32>} : memref<128x128xf32, #tpu.memory_space<vmem>>, vector<1x16xf32>,
      %broadcast_in_dim3A_67 = arith.constant 0.000000e+00 : f32
      %broadcast_in_dim3A_68 = vector.broadcast %broadcast_in_dim3A_67 : f32 to vector<16xf32>
      %swap3A_69 = arith.index_cast %scan3A_60 : i32 to index
      %swap3A_70 = arith.constant 16 : index
      %swap3A_71 = tpu.vector_load %arg8[%swap3A_69, %swap3A_70] {strides = array<i32>} : memref<128x128xf32, #tpu.memory_space<vmem>>, vector<1x16xf32>,
      %swap3A_72 = vector.shape_cast %swap3A_71 : vector<1x16xf32> to vector<16xf32>
      %swap3A_73 = vector.shape_cast %broadcast_in_dim3A_68 : vector<16xf32> to vector<1x16xf32>
      tpu.vector_store %arg8[%swap3A_69, %swap3A_70], %swap3A_73 {strides = array<i32>} : memref<128x128xf32, #tpu.memory_space<vmem>>, vector<1x16xf32>,
      %broadcast_in_dim3A_74 = arith.constant 0.000000e+00 : f32
      %broadcast_in_dim3A_75 = vector.broadcast %broadcast_in_dim3A_74 : f32 to vector<16xf32>
      %swap3A_76 = arith.index_cast %scan3A_60 : i32 to index
      %swap3A_77 = arith.constant 32 : index
      %swap3A_78 = tpu.vector_load %arg8[%swap3A_76, %swap3A_77] {strides = array<i32>} : memref<128x128xf32, #tpu.memory_space<vmem>>, vector<1x16xf32>,
      %swap3A_79 = vector.shape_cast %swap3A_78 : vector<1x16xf32> to vector<16xf32>
      %swap3A_80 = vector.shape_cast %broadcast_in_dim3A_75 : vector<16xf32> to vector<1x16xf32>
      tpu.vector_store %arg8[%swap3A_76, %swap3A_77], %swap3A_80 {strides = array<i32>} : memref<128x128xf32, #tpu.memory_space<vmem>>, vector<1x16xf32>,
      %broadcast_in_dim3A_81 = arith.constant 0.000000e+00 : f32
      %broadcast_in_dim3A_82 = vector.broadcast %broadcast_in_dim3A_81 : f32 to vector<16xf32>
      %swap3A_83 = arith.index_cast %scan3A_60 : i32 to index
      %swap3A_84 = arith.constant 48 : index
      %swap3A_85 = tpu.vector_load %arg8[%swap3A_83, %swap3A_84] {strides = array<i32>} : memref<128x128xf32, #tpu.memory_space<vmem>>, vector<1x16xf32>,
      %swap3A_86 = vector.shape_cast %swap3A_85 : vector<1x16xf32> to vector<16xf32>
      %swap3A_87 = vector.shape_cast %broadcast_in_dim3A_82 : vector<16xf32> to vector<1x16xf32>
      tpu.vector_store %arg8[%swap3A_83, %swap3A_84], %swap3A_87 {strides = array<i32>} : memref<128x128xf32, #tpu.memory_space<vmem>>, vector<1x16xf32>,
      %broadcast_in_dim3A_88 = arith.constant 0.000000e+00 : f32
      %broadcast_in_dim3A_89 = vector.broadcast %broadcast_in_dim3A_88 : f32 to vector<16xf32>
      %swap3A_90 = arith.index_cast %scan3A_60 : i32 to index
      %swap3A_91 = arith.constant 64 : index
      %swap3A_92 = tpu.vector_load %arg8[%swap3A_90, %swap3A_91] {strides = array<i32>} : memref<128x128xf32, #tpu.memory_space<vmem>>, vector<1x16xf32>,
      %swap3A_93 = vector.shape_cast %swap3A_92 : vector<1x16xf32> to vector<16xf32>
      %swap3A_94 = vector.shape_cast %broadcast_in_dim3A_89 : vector<16xf32> to vector<1x16xf32>
      tpu.vector_store %arg8[%swap3A_90, %swap3A_91], %swap3A_94 {strides = array<i32>} : memref<128x128xf32, #tpu.memory_space<vmem>>, vector<1x16xf32>,
      %broadcast_in_dim3A_95 = arith.constant 0.000000e+00 : f32
      %broadcast_in_dim3A_96 = vector.broadcast %broadcast_in_dim3A_95 : f32 to vector<16xf32>
      %swap3A_97 = arith.index_cast %scan3A_60 : i32 to index
      %swap3A_98 = arith.constant 80 : index
      %swap3A_99 = tpu.vector_load %arg8[%swap3A_97, %swap3A_98] {strides = array<i32>} : memref<128x128xf32, #tpu.memory_space<vmem>>, vector<1x16xf32>,
      %swap3A_100 = vector.shape_cast %swap3A_99 : vector<1x16xf32> to vector<16xf32>
      %swap3A_101 = vector.shape_cast %broadcast_in_dim3A_96 : vector<16xf32> to vector<1x16xf32>
      tpu.vector_store %arg8[%swap3A_97, %swap3A_98], %swap3A_101 {strides = array<i32>} : memref<128x128xf32, #tpu.memory_space<vmem>>, vector<1x16xf32>,
      %broadcast_in_dim3A_102 = arith.constant 0.000000e+00 : f32
      %broadcast_in_dim3A_103 = vector.broadcast %broadcast_in_dim3A_102 : f32 to vector<16xf32>
      %swap3A_104 = arith.index_cast %scan3A_60 : i32 to index
      %swap3A_105 = arith.constant 96 : index
      %swap3A_106 = tpu.vector_load %arg8[%swap3A_104, %swap3A_105] {strides = array<i32>} : memref<128x128xf32, #tpu.memory_space<vmem>>, vector<1x16xf32>,
      %swap3A_107 = vector.shape_cast %swap3A_106 : vector<1x16xf32> to vector<16xf32>
      %swap3A_108 = vector.shape_cast %broadcast_in_dim3A_103 : vector<16xf32> to vector<1x16xf32>
      tpu.vector_store %arg8[%swap3A_104, %swap3A_105], %swap3A_108 {strides = array<i32>} : memref<128x128xf32, #tpu.memory_space<vmem>>, vector<1x16xf32>,
      %broadcast_in_dim3A_109 = arith.constant 0.000000e+00 : f32
      %broadcast_in_dim3A_110 = vector.broadcast %broadcast_in_dim3A_109 : f32 to vector<16xf32>
      %swap3A_111 = arith.index_cast %scan3A_60 : i32 to index
      %swap3A_112 = arith.constant 112 : index
      %swap3A_113 = tpu.vector_load %arg8[%swap3A_111, %swap3A_112] {strides = array<i32>} : memref<128x128xf32, #tpu.memory_space<vmem>>, vector<1x16xf32>,
      %swap3A_114 = vector.shape_cast %swap3A_113 : vector<1x16xf32> to vector<16xf32>
      %swap3A_115 = vector.shape_cast %broadcast_in_dim3A_110 : vector<16xf32> to vector<1x16xf32>
      tpu.vector_store %arg8[%swap3A_111, %swap3A_112], %swap3A_115 {strides = array<i32>} : memref<128x128xf32, #tpu.memory_space<vmem>>, vector<1x16xf32>,
      %scan3A_116 = arith.constant 0 : i32
      scf.yield %scan3A_116 : i32
    }
    %scan3A_28 = arith.constant 128 : i32
    %eq3A_29 = arith.constant 0 : i32
    %eq3A_30 = arith.cmpi eq, %arg0, %eq3A_29 : i32
    %eq3A_31 = arith.constant 15 : i32
    %eq3A_32 = arith.cmpi eq, %arg1, %eq3A_31 : i32
    %and3A = arith.andi %eq3A_30, %eq3A_32 : i1
    %convert_element_type3A_33 = arith.extui %and3A : i1 to i32
    %cond3A_34 = arith.constant 0 : i32
    %cond3A_35 = arith.cmpi ne, %convert_element_type3A_33, %cond3A_34 : i32
    scf.if %cond3A_35 {
      "tpu.region"() ({
        %run_scoped3A = tpu.sem_alloc : memref<!tpu.dma_semaphore, #tpu.memory_space<semaphore_mem>>
        %dma_start3A_60 = arith.constant 0 : i32
        %dma_start3A_61 = arith.constant 0 : i32
        %dma_start3A_62 = tpu.memref_slice %arg8[%dma_start3A_60, %dma_start3A_61] : memref<128x128xf32, #tpu.memory_space<vmem>> -> memref<112x128xf32, #tpu.memory_space<vmem>>
        %dma_start3A_63 = arith.constant 10000 : i32
        %dma_start3A_64 = arith.constant 0 : i32
        %dma_start3A_65 = tpu.memref_slice %arg10[%dma_start3A_63, %dma_start3A_64] : memref<10112x128xf32, #tpu.memory_space<vmem_shared>> -> memref<112x128xf32, #tpu.memory_space<vmem_shared>>
        %dma_start3A_66 = arith.constant 10000 : i32
        %dma_start3A_67 = arith.constant 0 : i32
        %dma_start3A_68 = tpu.memref_slice %arg10[%dma_start3A_66, %dma_start3A_67] : memref<10112x128xf32, #tpu.memory_space<vmem_shared>> -> memref<112x128xf32, #tpu.memory_space<vmem_shared>>
        %dma_start3A_69 = arith.constant 0 : i32
        %dma_start3A_70 = arith.constant 0 : i32
        %dma_start3A_71 = tpu.memref_slice %arg8[%dma_start3A_69, %dma_start3A_70] : memref<128x128xf32, #tpu.memory_space<vmem>> -> memref<112x128xf32, #tpu.memory_space<vmem>>
        tpu.enqueue_dma source(%dma_start3A_71 : memref<112x128xf32, #tpu.memory_space<vmem>>) target(%dma_start3A_68 : memref<112x128xf32, #tpu.memory_space<vmem_shared>>) target_semaphore(%run_scoped3A : memref<!tpu.dma_semaphore, #tpu.memory_space<semaphore_mem>>)
        %dma_wait3A = arith.constant 0 : i32
        %dma_wait3A_72 = arith.constant 0 : i32
        %dma_wait3A_73 = tpu.memref_slice %arg8[%dma_wait3A, %dma_wait3A_72] : memref<128x128xf32, #tpu.memory_space<vmem>> -> memref<112x128xf32, #tpu.memory_space<vmem>>
        %dma_wait3A_74 = arith.constant 10000 : i32
        %dma_wait3A_75 = arith.constant 0 : i32
        %dma_wait3A_76 = tpu.memref_slice %arg10[%dma_wait3A_74, %dma_wait3A_75] : memref<10112x128xf32, #tpu.memory_space<vmem_shared>> -> memref<112x128xf32, #tpu.memory_space<vmem_shared>>
        %dma_wait3A_77 = arith.constant 10000 : i32
        %dma_wait3A_78 = arith.constant 0 : i32
        %dma_wait3A_79 = tpu.memref_slice %arg10[%dma_wait3A_77, %dma_wait3A_78] : memref<10112x128xf32, #tpu.memory_space<vmem_shared>> -> memref<112x128xf32, #tpu.memory_space<vmem_shared>>
        %dma_wait3A_80 = arith.constant 0 : i32
        %dma_wait3A_81 = arith.constant 0 : i32
        %dma_wait3A_82 = tpu.memref_slice %arg8[%dma_wait3A_80, %dma_wait3A_81] : memref<128x128xf32, #tpu.memory_space<vmem>> -> memref<112x128xf32, #tpu.memory_space<vmem>>
        tpu.wait_dma2 semaphore(%run_scoped3A : memref<!tpu.dma_semaphore, #tpu.memory_space<semaphore_mem>>) src(%dma_wait3A_82 : memref<112x128xf32, #tpu.memory_space<vmem>>) dst(%dma_wait3A_79 : memref<112x128xf32, #tpu.memory_space<vmem_shared>>)
        tpu.yield
      }) : () -> ()
    } else {
    }
    %eq3A_36 = arith.constant 1 : i32
    %eq3A_37 = arith.cmpi eq, %arg0, %eq3A_36 : i32
    %convert_element_type3A_38 = arith.extui %eq3A_37 : i1 to i32
    %cond3A_39 = arith.constant 0 : i32
    %cond3A_40 = arith.cmpi ne, %convert_element_type3A_38, %cond3A_39 : i32
    scf.if %cond3A_40 {
      %mul3A_60 = arith.constant 632 : i32
      %mul3A_61 = arith.muli %arg1, %mul3A_60 : i32
      %add3A_62 = arith.constant 0 : i32
      %add3A_63 = arith.addi %mul3A_61, %add3A_62 : i32
      "tpu.region"() ({
        %run_scoped3A = tpu.sem_alloc : memref<!tpu.dma_semaphore, #tpu.memory_space<semaphore_mem>>
        %dma_start3A_80 = arith.constant 0 : i32
        %dma_start3A_81 = tpu.memref_slice %arg10[%add3A_63, %dma_start3A_80] : memref<10112x128xf32, #tpu.memory_space<vmem_shared>> -> memref<128x128xf32, #tpu.memory_space<vmem_shared>>
        %dma_start3A_82 = arith.constant 0 : i32
        %dma_start3A_83 = tpu.memref_slice %arg10[%add3A_63, %dma_start3A_82] : memref<10112x128xf32, #tpu.memory_space<vmem_shared>> -> memref<128x128xf32, #tpu.memory_space<vmem_shared>>
        tpu.enqueue_dma source(%arg8 : memref<128x128xf32, #tpu.memory_space<vmem>>) target(%dma_start3A_83 : memref<128x128xf32, #tpu.memory_space<vmem_shared>>) target_semaphore(%run_scoped3A : memref<!tpu.dma_semaphore, #tpu.memory_space<semaphore_mem>>)
        %dma_wait3A = arith.constant 0 : i32
        %dma_wait3A_84 = tpu.memref_slice %arg10[%add3A_63, %dma_wait3A] : memref<10112x128xf32, #tpu.memory_space<vmem_shared>> -> memref<128x128xf32, #tpu.memory_space<vmem_shared>>
        %dma_wait3A_85 = arith.constant 0 : i32
        %dma_wait3A_86 = tpu.memref_slice %arg10[%add3A_63, %dma_wait3A_85] : memref<10112x128xf32, #tpu.memory_space<vmem_shared>> -> memref<128x128xf32, #tpu.memory_space<vmem_shared>>
        tpu.wait_dma2 semaphore(%run_scoped3A : memref<!tpu.dma_semaphore, #tpu.memory_space<semaphore_mem>>) src(%arg8 : memref<128x128xf32, #tpu.memory_space<vmem>>) dst(%dma_wait3A_86 : memref<128x128xf32, #tpu.memory_space<vmem_shared>>)
        tpu.yield
      }) : () -> ()
      %mul3A_64 = arith.constant 632 : i32
      %mul3A_65 = arith.muli %arg1, %mul3A_64 : i32
      %add3A_66 = arith.constant 128 : i32
      %add3A_67 = arith.addi %mul3A_65, %add3A_66 : i32
      "tpu.region"() ({
        %run_scoped3A = tpu.sem_alloc : memref<!tpu.dma_semaphore, #tpu.memory_space<semaphore_mem>>
        %dma_start3A_80 = arith.constant 0 : i32
        %dma_start3A_81 = tpu.memref_slice %arg10[%add3A_67, %dma_start3A_80] : memref<10112x128xf32, #tpu.memory_space<vmem_shared>> -> memref<128x128xf32, #tpu.memory_space<vmem_shared>>
        %dma_start3A_82 = arith.constant 0 : i32
        %dma_start3A_83 = tpu.memref_slice %arg10[%add3A_67, %dma_start3A_82] : memref<10112x128xf32, #tpu.memory_space<vmem_shared>> -> memref<128x128xf32, #tpu.memory_space<vmem_shared>>
        tpu.enqueue_dma source(%arg8 : memref<128x128xf32, #tpu.memory_space<vmem>>) target(%dma_start3A_83 : memref<128x128xf32, #tpu.memory_space<vmem_shared>>) target_semaphore(%run_scoped3A : memref<!tpu.dma_semaphore, #tpu.memory_space<semaphore_mem>>)
        %dma_wait3A = arith.constant 0 : i32
        %dma_wait3A_84 = tpu.memref_slice %arg10[%add3A_67, %dma_wait3A] : memref<10112x128xf32, #tpu.memory_space<vmem_shared>> -> memref<128x128xf32, #tpu.memory_space<vmem_shared>>
        %dma_wait3A_85 = arith.constant 0 : i32
        %dma_wait3A_86 = tpu.memref_slice %arg10[%add3A_67, %dma_wait3A_85] : memref<10112x128xf32, #tpu.memory_space<vmem_shared>> -> memref<128x128xf32, #tpu.memory_space<vmem_shared>>
        tpu.wait_dma2 semaphore(%run_scoped3A : memref<!tpu.dma_semaphore, #tpu.memory_space<semaphore_mem>>) src(%arg8 : memref<128x128xf32, #tpu.memory_space<vmem>>) dst(%dma_wait3A_86 : memref<128x128xf32, #tpu.memory_space<vmem_shared>>)
        tpu.yield
      }) : () -> ()
      %mul3A_68 = arith.constant 632 : i32
      %mul3A_69 = arith.muli %arg1, %mul3A_68 : i32
      %add3A_70 = arith.constant 256 : i32
      %add3A_71 = arith.addi %mul3A_69, %add3A_70 : i32
      "tpu.region"() ({
        %run_scoped3A = tpu.sem_alloc : memref<!tpu.dma_semaphore, #tpu.memory_space<semaphore_mem>>
        %dma_start3A_80 = arith.constant 0 : i32
        %dma_start3A_81 = tpu.memref_slice %arg10[%add3A_71, %dma_start3A_80] : memref<10112x128xf32, #tpu.memory_space<vmem_shared>> -> memref<128x128xf32, #tpu.memory_space<vmem_shared>>
        %dma_start3A_82 = arith.constant 0 : i32
        %dma_start3A_83 = tpu.memref_slice %arg10[%add3A_71, %dma_start3A_82] : memref<10112x128xf32, #tpu.memory_space<vmem_shared>> -> memref<128x128xf32, #tpu.memory_space<vmem_shared>>
        tpu.enqueue_dma source(%arg8 : memref<128x128xf32, #tpu.memory_space<vmem>>) target(%dma_start3A_83 : memref<128x128xf32, #tpu.memory_space<vmem_shared>>) target_semaphore(%run_scoped3A : memref<!tpu.dma_semaphore, #tpu.memory_space<semaphore_mem>>)
        %dma_wait3A = arith.constant 0 : i32
        %dma_wait3A_84 = tpu.memref_slice %arg10[%add3A_71, %dma_wait3A] : memref<10112x128xf32, #tpu.memory_space<vmem_shared>> -> memref<128x128xf32, #tpu.memory_space<vmem_shared>>
        %dma_wait3A_85 = arith.constant 0 : i32
        %dma_wait3A_86 = tpu.memref_slice %arg10[%add3A_71, %dma_wait3A_85] : memref<10112x128xf32, #tpu.memory_space<vmem_shared>> -> memref<128x128xf32, #tpu.memory_space<vmem_shared>>
        tpu.wait_dma2 semaphore(%run_scoped3A : memref<!tpu.dma_semaphore, #tpu.memory_space<semaphore_mem>>) src(%arg8 : memref<128x128xf32, #tpu.memory_space<vmem>>) dst(%dma_wait3A_86 : memref<128x128xf32, #tpu.memory_space<vmem_shared>>)
        tpu.yield
      }) : () -> ()
      %mul3A_72 = arith.constant 632 : i32
      %mul3A_73 = arith.muli %arg1, %mul3A_72 : i32
      %add3A_74 = arith.constant 384 : i32
      %add3A_75 = arith.addi %mul3A_73, %add3A_74 : i32
      "tpu.region"() ({
        %run_scoped3A = tpu.sem_alloc : memref<!tpu.dma_semaphore, #tpu.memory_space<semaphore_mem>>
        %dma_start3A_80 = arith.constant 0 : i32
        %dma_start3A_81 = tpu.memref_slice %arg10[%add3A_75, %dma_start3A_80] : memref<10112x128xf32, #tpu.memory_space<vmem_shared>> -> memref<128x128xf32, #tpu.memory_space<vmem_shared>>
        %dma_start3A_82 = arith.constant 0 : i32
        %dma_start3A_83 = tpu.memref_slice %arg10[%add3A_75, %dma_start3A_82] : memref<10112x128xf32, #tpu.memory_space<vmem_shared>> -> memref<128x128xf32, #tpu.memory_space<vmem_shared>>
        tpu.enqueue_dma source(%arg8 : memref<128x128xf32, #tpu.memory_space<vmem>>) target(%dma_start3A_83 : memref<128x128xf32, #tpu.memory_space<vmem_shared>>) target_semaphore(%run_scoped3A : memref<!tpu.dma_semaphore, #tpu.memory_space<semaphore_mem>>)
        %dma_wait3A = arith.constant 0 : i32
        %dma_wait3A_84 = tpu.memref_slice %arg10[%add3A_75, %dma_wait3A] : memref<10112x128xf32, #tpu.memory_space<vmem_shared>> -> memref<128x128xf32, #tpu.memory_space<vmem_shared>>
        %dma_wait3A_85 = arith.constant 0 : i32
        %dma_wait3A_86 = tpu.memref_slice %arg10[%add3A_75, %dma_wait3A_85] : memref<10112x128xf32, #tpu.memory_space<vmem_shared>> -> memref<128x128xf32, #tpu.memory_space<vmem_shared>>
        tpu.wait_dma2 semaphore(%run_scoped3A : memref<!tpu.dma_semaphore, #tpu.memory_space<semaphore_mem>>) src(%arg8 : memref<128x128xf32, #tpu.memory_space<vmem>>) dst(%dma_wait3A_86 : memref<128x128xf32, #tpu.memory_space<vmem_shared>>)
        tpu.yield
      }) : () -> ()
      %mul3A_76 = arith.constant 632 : i32
      %mul3A_77 = arith.muli %arg1, %mul3A_76 : i32
      %add3A_78 = arith.constant 512 : i32
      %add3A_79 = arith.addi %mul3A_77, %add3A_78 : i32
      "tpu.region"() ({
        %run_scoped3A = tpu.sem_alloc : memref<!tpu.dma_semaphore, #tpu.memory_space<semaphore_mem>>
        %dma_start3A_80 = arith.constant 0 : i32
        %dma_start3A_81 = arith.constant 0 : i32
        %dma_start3A_82 = tpu.memref_slice %arg8[%dma_start3A_80, %dma_start3A_81] : memref<128x128xf32, #tpu.memory_space<vmem>> -> memref<120x128xf32, #tpu.memory_space<vmem>>
        %dma_start3A_83 = arith.constant 0 : i32
        %dma_start3A_84 = tpu.memref_slice %arg10[%add3A_79, %dma_start3A_83] : memref<10112x128xf32, #tpu.memory_space<vmem_shared>> -> memref<120x128xf32, #tpu.memory_space<vmem_shared>>
        %dma_start3A_85 = arith.constant 0 : i32
        %dma_start3A_86 = tpu.memref_slice %arg10[%add3A_79, %dma_start3A_85] : memref<10112x128xf32, #tpu.memory_space<vmem_shared>> -> memref<120x128xf32, #tpu.memory_space<vmem_shared>>
        %dma_start3A_87 = arith.constant 0 : i32
        %dma_start3A_88 = arith.constant 0 : i32
        %dma_start3A_89 = tpu.memref_slice %arg8[%dma_start3A_87, %dma_start3A_88] : memref<128x128xf32, #tpu.memory_space<vmem>> -> memref<120x128xf32, #tpu.memory_space<vmem>>
        tpu.enqueue_dma source(%dma_start3A_89 : memref<120x128xf32, #tpu.memory_space<vmem>>) target(%dma_start3A_86 : memref<120x128xf32, #tpu.memory_space<vmem_shared>>) target_semaphore(%run_scoped3A : memref<!tpu.dma_semaphore, #tpu.memory_space<semaphore_mem>>)
        %dma_wait3A = arith.constant 0 : i32
        %dma_wait3A_90 = arith.constant 0 : i32
        %dma_wait3A_91 = tpu.memref_slice %arg8[%dma_wait3A, %dma_wait3A_90] : memref<128x128xf32, #tpu.memory_space<vmem>> -> memref<120x128xf32, #tpu.memory_space<vmem>>
        %dma_wait3A_92 = arith.constant 0 : i32
        %dma_wait3A_93 = tpu.memref_slice %arg10[%add3A_79, %dma_wait3A_92] : memref<10112x128xf32, #tpu.memory_space<vmem_shared>> -> memref<120x128xf32, #tpu.memory_space<vmem_shared>>
        %dma_wait3A_94 = arith.constant 0 : i32
        %dma_wait3A_95 = tpu.memref_slice %arg10[%add3A_79, %dma_wait3A_94] : memref<10112x128xf32, #tpu.memory_space<vmem_shared>> -> memref<120x128xf32, #tpu.memory_space<vmem_shared>>
        %dma_wait3A_96 = arith.constant 0 : i32
        %dma_wait3A_97 = arith.constant 0 : i32
        %dma_wait3A_98 = tpu.memref_slice %arg8[%dma_wait3A_96, %dma_wait3A_97] : memref<128x128xf32, #tpu.memory_space<vmem>> -> memref<120x128xf32, #tpu.memory_space<vmem>>
        tpu.wait_dma2 semaphore(%run_scoped3A : memref<!tpu.dma_semaphore, #tpu.memory_space<semaphore_mem>>) src(%dma_wait3A_98 : memref<120x128xf32, #tpu.memory_space<vmem>>) dst(%dma_wait3A_95 : memref<120x128xf32, #tpu.memory_space<vmem_shared>>)
        tpu.yield
      }) : () -> ()
    } else {
    }
    "tpu.region"() ({
      %run_scoped3A = tpu.sem_alloc : memref<!tpu.dma_semaphore, #tpu.memory_space<semaphore_mem>>
      %dma_start3A_60 = arith.constant 0 : i32
      %dma_start3A_61 = tpu.memref_slice %arg4[%mul3A_2, %dma_start3A_60] : memref<2560x128xi32, #tpu.memory_space<hbm>> -> memref<80x128xi32, #tpu.memory_space<hbm>>
      %dma_start3A_62 = arith.constant 0 : i32
      %dma_start3A_63 = tpu.memref_slice %arg4[%mul3A_2, %dma_start3A_62] : memref<2560x128xi32, #tpu.memory_space<hbm>> -> memref<80x128xi32, #tpu.memory_space<hbm>>
      tpu.enqueue_dma source(%dma_start3A_63 : memref<80x128xi32, #tpu.memory_space<hbm>>) target(%arg7 : memref<80x128xi32, #tpu.memory_space<vmem>>) target_semaphore(%run_scoped3A : memref<!tpu.dma_semaphore, #tpu.memory_space<semaphore_mem>>)
      %dma_wait3A = arith.constant 0 : i32
      %dma_wait3A_64 = tpu.memref_slice %arg4[%mul3A_2, %dma_wait3A] : memref<2560x128xi32, #tpu.memory_space<hbm>> -> memref<80x128xi32, #tpu.memory_space<hbm>>
      %dma_wait3A_65 = arith.constant 0 : i32
      %dma_wait3A_66 = tpu.memref_slice %arg4[%mul3A_2, %dma_wait3A_65] : memref<2560x128xi32, #tpu.memory_space<hbm>> -> memref<80x128xi32, #tpu.memory_space<hbm>>
      tpu.wait_dma2 semaphore(%run_scoped3A : memref<!tpu.dma_semaphore, #tpu.memory_space<semaphore_mem>>) src(%dma_wait3A_66 : memref<80x128xi32, #tpu.memory_space<hbm>>) dst(%arg7 : memref<80x128xi32, #tpu.memory_space<vmem>>)
      tpu.yield
    }) : () -> ()
    %barrier3A_41 = arith.constant 0 : index
    tpu.barrier barrier_id(%barrier3A_41)
    %mul3A_42 = arith.constant 128 : i32
    %mul3A_43 = arith.muli %mul3A_2, %mul3A_42 : i32
    %dma_start3A_44 = arith.constant 0 : i32
    %dma_start3A_45 = tpu.memref_slice %arg6[%mul3A_43, %dma_start3A_44] : memref<327680x128xf32, #tpu.memory_space<hbm>> -> memref<128x128xf32, #tpu.memory_space<hbm>>
    %dma_start3A_46 = arith.constant 0 : i32
    %dma_start3A_47 = tpu.memref_slice %arg6[%mul3A_43, %dma_start3A_46] : memref<327680x128xf32, #tpu.memory_space<hbm>> -> memref<128x128xf32, #tpu.memory_space<hbm>>
    tpu.enqueue_dma source(%dma_start3A_47 : memref<128x128xf32, #tpu.memory_space<hbm>>) target(%arg8 : memref<128x128xf32, #tpu.memory_space<vmem>>) target_semaphore(%arg11 : memref<!tpu.dma_semaphore, #tpu.memory_space<semaphore_mem>>)
    %scan3A_48 = arith.constant 0 : i32
    %scan3A_49 = arith.constant 0 : i32
    %scan3A_50 = arith.constant 40 : i32
    %scan3A_51 = arith.addi %scan3A_49, %scan3A_50 : i32
    %scan3A_52 = arith.constant 1 : i32
    %scan3A_53 = scf.for %scan3A_60 = %scan3A_49 to %scan3A_51 step %scan3A_52 iter_args(%scan3A_61 = %scan3A_48) -> (i32)  : i32 {
      %mul3A_62 = arith.constant 2 : i32
      %mul3A_63 = arith.muli %scan3A_60, %mul3A_62 : i32
      %add3A_64 = arith.addi %mul3A_2, %mul3A_63 : i32
      %add3A_65 = arith.constant 1 : i32
      %add3A_66 = arith.addi %add3A_64, %add3A_65 : i32
      %mul3A_67 = arith.constant 128 : i32
      %mul3A_68 = arith.muli %add3A_66, %mul3A_67 : i32
      %dma_start3A_69 = arith.constant 0 : i32
      %dma_start3A_70 = tpu.memref_slice %arg6[%mul3A_68, %dma_start3A_69] : memref<327680x128xf32, #tpu.memory_space<hbm>> -> memref<128x128xf32, #tpu.memory_space<hbm>>
      %dma_start3A_71 = arith.constant 0 : i32
      %dma_start3A_72 = tpu.memref_slice %arg6[%mul3A_68, %dma_start3A_71] : memref<327680x128xf32, #tpu.memory_space<hbm>> -> memref<128x128xf32, #tpu.memory_space<hbm>>
      tpu.enqueue_dma source(%dma_start3A_72 : memref<128x128xf32, #tpu.memory_space<hbm>>) target(%arg9 : memref<128x128xf32, #tpu.memory_space<vmem>>) target_semaphore(%arg12 : memref<!tpu.dma_semaphore, #tpu.memory_space<semaphore_mem>>)
      %mul3A_73 = arith.constant 128 : i32
      %mul3A_74 = arith.muli %mul3A_2, %mul3A_73 : i32
      %dma_wait3A = arith.constant 0 : i32
      %dma_wait3A_75 = tpu.memref_slice %arg6[%mul3A_74, %dma_wait3A] : memref<327680x128xf32, #tpu.memory_space<hbm>> -> memref<128x128xf32, #tpu.memory_space<hbm>>
      %dma_wait3A_76 = arith.constant 0 : i32
      %dma_wait3A_77 = tpu.memref_slice %arg6[%mul3A_74, %dma_wait3A_76] : memref<327680x128xf32, #tpu.memory_space<hbm>> -> memref<128x128xf32, #tpu.memory_space<hbm>>
      tpu.wait_dma2 semaphore(%arg11 : memref<!tpu.dma_semaphore, #tpu.memory_space<semaphore_mem>>) src(%dma_wait3A_77 : memref<128x128xf32, #tpu.memory_space<hbm>>) dst(%arg8 : memref<128x128xf32, #tpu.memory_space<vmem>>)
      "tpu.region"() ({
        %run_scoped3A = tpu.sem_alloc : memref<!tpu.dma_semaphore, #tpu.memory_space<semaphore_mem>>
        %dma_start3A_92 = arith.constant 0 : i32
        %dma_start3A_93 = tpu.memref_slice %arg7[%mul3A_63, %dma_start3A_92] : memref<80x128xi32, #tpu.memory_space<vmem>> -> memref<1x128xi32, #tpu.memory_space<vmem>>
        %dma_start3A_94 = tpu.memref_squeeze %dma_start3A_93 : memref<1x128xi32, #tpu.memory_space<vmem>> -> memref<128xi32, #tpu.memory_space<vmem>>
        %dma_start3A_95 = arith.constant 0 : i32
        %dma_start3A_96 = arith.constant 0 : i32
        %dma_start3A_97 = tpu.memref_slice %arg10[%dma_start3A_95, %dma_start3A_96] : memref<10112x128xf32, #tpu.memory_space<vmem_shared>> -> memref<10112x128xf32, #tpu.memory_space<vmem_shared>>
        tpu.enqueue_indirect_dma source(%arg8 : memref<128x128xf32, #tpu.memory_space<vmem>>) target(%dma_start3A_97 : memref<10112x128xf32, #tpu.memory_space<vmem_shared>>) offsets(%dma_start3A_94 : memref<128xi32, #tpu.memory_space<vmem>>) semaphore(%run_scoped3A : memref<!tpu.dma_semaphore, #tpu.memory_space<semaphore_mem>>) {add = true}
        %dma_wait3A_98 = arith.constant 0 : i32
        %dma_wait3A_99 = tpu.memref_slice %arg7[%mul3A_63, %dma_wait3A_98] : memref<80x128xi32, #tpu.memory_space<vmem>> -> memref<1x128xi32, #tpu.memory_space<vmem>>
        %dma_wait3A_100 = tpu.memref_squeeze %dma_wait3A_99 : memref<1x128xi32, #tpu.memory_space<vmem>> -> memref<128xi32, #tpu.memory_space<vmem>>
        %dma_wait3A_101 = arith.constant 0 : i32
        %dma_wait3A_102 = arith.constant 0 : i32
        %dma_wait3A_103 = tpu.memref_slice %arg10[%dma_wait3A_101, %dma_wait3A_102] : memref<10112x128xf32, #tpu.memory_space<vmem_shared>> -> memref<10112x128xf32, #tpu.memory_space<vmem_shared>>
        tpu.wait_indirect_dma semaphore(%run_scoped3A : memref<!tpu.dma_semaphore, #tpu.memory_space<semaphore_mem>>) src(%arg8 : memref<128x128xf32, #tpu.memory_space<vmem>>) dst(%dma_wait3A_103 : memref<10112x128xf32, #tpu.memory_space<vmem_shared>>)
        tpu.yield
      }) : () -> ()
      %lt3A_78 = arith.constant 39 : i32
      %lt3A_79 = arith.cmpi slt, %scan3A_60, %lt3A_78 : i32
      %convert_element_type3A_80 = arith.extui %lt3A_79 : i1 to i32
      %cond3A_81 = arith.constant 0 : i32
      %cond3A_82 = arith.cmpi ne, %convert_element_type3A_80, %cond3A_81 : i32
      scf.if %cond3A_82 {
        %add3A_92 = arith.addi %mul3A_2, %mul3A_63 : i32
        %add3A_93 = arith.constant 2 : i32
        %add3A_94 = arith.addi %add3A_92, %add3A_93 : i32
        %mul3A_95 = arith.constant 128 : i32
        %mul3A_96 = arith.muli %add3A_94, %mul3A_95 : i32
        %dma_start3A_97 = arith.constant 0 : i32
        %dma_start3A_98 = tpu.memref_slice %arg6[%mul3A_96, %dma_start3A_97] : memref<327680x128xf32, #tpu.memory_space<hbm>> -> memref<128x128xf32, #tpu.memory_space<hbm>>
        %dma_start3A_99 = arith.constant 0 : i32
        %dma_start3A_100 = tpu.memref_slice %arg6[%mul3A_96, %dma_start3A_99] : memref<327680x128xf32, #tpu.memory_space<hbm>> -> memref<128x128xf32, #tpu.memory_space<hbm>>
        tpu.enqueue_dma source(%dma_start3A_100 : memref<128x128xf32, #tpu.memory_space<hbm>>) target(%arg8 : memref<128x128xf32, #tpu.memory_space<vmem>>) target_semaphore(%arg11 : memref<!tpu.dma_semaphore, #tpu.memory_space<semaphore_mem>>)
      } else {
      }
      %mul3A_83 = arith.constant 128 : i32
      %mul3A_84 = arith.muli %mul3A_2, %mul3A_83 : i32
      %dma_wait3A_85 = arith.constant 0 : i32
      %dma_wait3A_86 = tpu.memref_slice %arg6[%mul3A_84, %dma_wait3A_85] : memref<327680x128xf32, #tpu.memory_space<hbm>> -> memref<128x128xf32, #tpu.memory_space<hbm>>
      %dma_wait3A_87 = arith.constant 0 : i32
      %dma_wait3A_88 = tpu.memref_slice %arg6[%mul3A_84, %dma_wait3A_87] : memref<327680x128xf32, #tpu.memory_space<hbm>> -> memref<128x128xf32, #tpu.memory_space<hbm>>
      tpu.wait_dma2 semaphore(%arg12 : memref<!tpu.dma_semaphore, #tpu.memory_space<semaphore_mem>>) src(%dma_wait3A_88 : memref<128x128xf32, #tpu.memory_space<hbm>>) dst(%arg9 : memref<128x128xf32, #tpu.memory_space<vmem>>)
      %add3A_89 = arith.constant 1 : i32
      %add3A_90 = arith.addi %mul3A_63, %add3A_89 : i32
      "tpu.region"() ({
        %run_scoped3A = tpu.sem_alloc : memref<!tpu.dma_semaphore, #tpu.memory_space<semaphore_mem>>
        %dma_start3A_92 = arith.constant 0 : i32
        %dma_start3A_93 = tpu.memref_slice %arg7[%add3A_90, %dma_start3A_92] : memref<80x128xi32, #tpu.memory_space<vmem>> -> memref<1x128xi32, #tpu.memory_space<vmem>>
        %dma_start3A_94 = tpu.memref_squeeze %dma_start3A_93 : memref<1x128xi32, #tpu.memory_space<vmem>> -> memref<128xi32, #tpu.memory_space<vmem>>
        %dma_start3A_95 = arith.constant 0 : i32
        %dma_start3A_96 = arith.constant 0 : i32
        %dma_start3A_97 = tpu.memref_slice %arg10[%dma_start3A_95, %dma_start3A_96] : memref<10112x128xf32, #tpu.memory_space<vmem_shared>> -> memref<10112x128xf32, #tpu.memory_space<vmem_shared>>
        tpu.enqueue_indirect_dma source(%arg9 : memref<128x128xf32, #tpu.memory_space<vmem>>) target(%dma_start3A_97 : memref<10112x128xf32, #tpu.memory_space<vmem_shared>>) offsets(%dma_start3A_94 : memref<128xi32, #tpu.memory_space<vmem>>) semaphore(%run_scoped3A : memref<!tpu.dma_semaphore, #tpu.memory_space<semaphore_mem>>) {add = true}
        %dma_wait3A_98 = arith.constant 0 : i32
        %dma_wait3A_99 = tpu.memref_slice %arg7[%add3A_90, %dma_wait3A_98] : memref<80x128xi32, #tpu.memory_space<vmem>> -> memref<1x128xi32, #tpu.memory_space<vmem>>
        %dma_wait3A_100 = tpu.memref_squeeze %dma_wait3A_99 : memref<1x128xi32, #tpu.memory_space<vmem>> -> memref<128xi32, #tpu.memory_space<vmem>>
        %dma_wait3A_101 = arith.constant 0 : i32
        %dma_wait3A_102 = arith.constant 0 : i32
        %dma_wait3A_103 = tpu.memref_slice %arg10[%dma_wait3A_101, %dma_wait3A_102] : memref<10112x128xf32, #tpu.memory_space<vmem_shared>> -> memref<10112x128xf32, #tpu.memory_space<vmem_shared>>
        tpu.wait_indirect_dma semaphore(%run_scoped3A : memref<!tpu.dma_semaphore, #tpu.memory_space<semaphore_mem>>) src(%arg9 : memref<128x128xf32, #tpu.memory_space<vmem>>) dst(%dma_wait3A_103 : memref<10112x128xf32, #tpu.memory_space<vmem_shared>>)
        tpu.yield
      }) : () -> ()
      %scan3A_91 = arith.constant 0 : i32
      scf.yield %scan3A_91 : i32
    }
    %scan3A_54 = arith.constant 40 : i32
    %barrier3A_55 = arith.constant 0 : index
    tpu.barrier barrier_id(%barrier3A_55)
    %mul3A_56 = arith.constant 632 : i32
    %mul3A_57 = arith.muli %arg1, %mul3A_56 : i32
    %mul3A_58 = arith.constant 632 : i32
    %mul3A_59 = arith.muli %arg1, %mul3A_58 : i32
    "tpu.region"() ({
      %run_scoped3A = tpu.sem_alloc : memref<!tpu.dma_semaphore, #tpu.memory_space<semaphore_mem>>
      %dma_start3A_60 = arith.constant 0 : i32
      %dma_start3A_61 = arith.constant 0 : i32
      %dma_start3A_62 = tpu.memref_slice %arg5[%arg0, %dma_start3A_60, %dma_start3A_61] : memref<2x10112x128xf32, #tpu.memory_space<hbm>> -> memref<1x10112x128xf32, #tpu.memory_space<hbm>>
      %dma_start3A_63 = tpu.memref_squeeze %dma_start3A_62 : memref<1x10112x128xf32, #tpu.memory_space<hbm>> -> memref<10112x128xf32, #tpu.memory_space<hbm>>
      %dma_start3A_64 = arith.constant 0 : i32
      %dma_start3A_65 = tpu.memref_slice %dma_start3A_63[%mul3A_59, %dma_start3A_64] : memref<10112x128xf32, #tpu.memory_space<hbm>> -> memref<632x128xf32, #tpu.memory_space<hbm>>
      %dma_start3A_66 = arith.constant 0 : i32
      %dma_start3A_67 = tpu.memref_slice %arg10[%mul3A_57, %dma_start3A_66] : memref<10112x128xf32, #tpu.memory_space<vmem_shared>> -> memref<632x128xf32, #tpu.memory_space<vmem_shared>>
      tpu.enqueue_dma source(%dma_start3A_67 : memref<632x128xf32, #tpu.memory_space<vmem_shared>>) target(%dma_start3A_65 : memref<632x128xf32, #tpu.memory_space<hbm>>) target_semaphore(%run_scoped3A : memref<!tpu.dma_semaphore, #tpu.memory_space<semaphore_mem>>)
      %dma_wait3A = arith.constant 0 : i32
      %dma_wait3A_68 = arith.constant 0 : i32
      %dma_wait3A_69 = tpu.memref_slice %arg5[%arg0, %dma_wait3A, %dma_wait3A_68] : memref<2x10112x128xf32, #tpu.memory_space<hbm>> -> memref<1x10112x128xf32, #tpu.memory_space<hbm>>
      %dma_wait3A_70 = tpu.memref_squeeze %dma_wait3A_69 : memref<1x10112x128xf32, #tpu.memory_space<hbm>> -> memref<10112x128xf32, #tpu.memory_space<hbm>>
      %dma_wait3A_71 = arith.constant 0 : i32
      %dma_wait3A_72 = tpu.memref_slice %dma_wait3A_70[%mul3A_59, %dma_wait3A_71] : memref<10112x128xf32, #tpu.memory_space<hbm>> -> memref<632x128xf32, #tpu.memory_space<hbm>>
      %dma_wait3A_73 = arith.constant 0 : i32
      %dma_wait3A_74 = tpu.memref_slice %arg10[%mul3A_57, %dma_wait3A_73] : memref<10112x128xf32, #tpu.memory_space<vmem_shared>> -> memref<632x128xf32, #tpu.memory_space<vmem_shared>>
      tpu.wait_dma2 semaphore(%run_scoped3A : memref<!tpu.dma_semaphore, #tpu.memory_space<semaphore_mem>>) src(%dma_wait3A_74 : memref<632x128xf32, #tpu.memory_space<vmem_shared>>) dst(%dma_wait3A_72 : memref<632x128xf32, #tpu.memory_space<hbm>>)
      tpu.yield
    }) : () -> ()
    return
  }
}

module attributes {stable_mosaic.version = 14 : i64} {
  func.func @_mlp_body(%arg0: i32, %arg1: memref<2x2000x128xf32, #tpu.memory_space<vmem>>, %arg2: memref<128x128xf32, #tpu.memory_space<vmem>>, %arg3: memref<1x128xf32, #tpu.memory_space<vmem>>, %arg4: memref<128x128xf32, #tpu.memory_space<vmem>>, %arg5: memref<1x128xf32, #tpu.memory_space<vmem>>, %arg6: memref<128x42xf32, #tpu.memory_space<vmem>>, %arg7: memref<1x42xf32, #tpu.memory_space<vmem>>, %arg8: memref<42x1xf32, #tpu.memory_space<vmem>>, %arg9: memref<1x1xf32, #tpu.memory_space<vmem>>, %arg10: memref<2000x1xf32, #tpu.memory_space<vmem>>) attributes {dimension_semantics = [#tpu.dimension_semantics<arbitrary>], iteration_bounds = array<i64: 5>, scalar_prefetch = 0 : i64, scratch_operands = 0 : i64, tpu.core_type = #tpu.core_type<tc>, window_params = [{transform_indices = @transform_0, window_bounds = array<i64: 2, 2000, 128>}, {pipeline_mode = #tpu.pipeline_mode<synchronous>, transform_indices = @transform_1, window_bounds = array<i64: 128, 128>}, {pipeline_mode = #tpu.pipeline_mode<synchronous>, transform_indices = @transform_2, window_bounds = array<i64: 1, 128>}, {pipeline_mode = #tpu.pipeline_mode<synchronous>, transform_indices = @transform_3, window_bounds = array<i64: 128, 128>}, {pipeline_mode = #tpu.pipeline_mode<synchronous>, transform_indices = @transform_4, window_bounds = array<i64: 1, 128>}, {pipeline_mode = #tpu.pipeline_mode<synchronous>, transform_indices = @transform_5, window_bounds = array<i64: 128, 42>}, {pipeline_mode = #tpu.pipeline_mode<synchronous>, transform_indices = @transform_6, window_bounds = array<i64: 1, 42>}, {pipeline_mode = #tpu.pipeline_mode<synchronous>, transform_indices = @transform_7, window_bounds = array<i64: 42, 1>}, {pipeline_mode = #tpu.pipeline_mode<synchronous>, transform_indices = @transform_8, window_bounds = array<i64: 1, 1>}, {transform_indices = @transform_9, window_bounds = array<i64: 2000, 1>}]} {
    %get3A = arith.constant 0 : index
    %get3A_0 = arith.constant 0 : index
    %get3A_1 = arith.constant 0 : index
    %get3A_2 = vector.load %arg1[%get3A, %get3A_0, %get3A_1] : memref<2x2000x128xf32, #tpu.memory_space<vmem>>, vector<1x2000x128xf32>
    %get3A_3 = vector.shape_cast %get3A_2 : vector<1x2000x128xf32> to vector<2000x128xf32>
    %get3A_4 = arith.constant 1 : index
    %get3A_5 = arith.constant 0 : index
    %get3A_6 = arith.constant 0 : index
    %get3A_7 = vector.load %arg1[%get3A_4, %get3A_5, %get3A_6] : memref<2x2000x128xf32, #tpu.memory_space<vmem>>, vector<1x2000x128xf32>
    %get3A_8 = vector.shape_cast %get3A_7 : vector<1x2000x128xf32> to vector<2000x128xf32>
    %add3A = arith.addf %get3A_3, %get3A_8 : vector<2000x128xf32>
    %get3A_9 = arith.constant 0 : index
    %get3A_10 = arith.constant 0 : index
    %get3A_11 = vector.load %arg2[%get3A_9, %get3A_10] : memref<128x128xf32, #tpu.memory_space<vmem>>, vector<128x128xf32>
    %dot_general3A = arith.constant dense<0.000000e+00> : vector<2000x128xf32>
    %dot_general3A_12 = tpu.matmul %add3A, %get3A_11, %dot_general3A {dimension_numbers = #tpu.dot_dimension_numbers<[1], [0], [0], [1], [0, 0, 1, 1], [], []>, transpose_lhs_hint = false} : vector<2000x128xf32>, vector<128x128xf32>, vector<2000x128xf32> -> vector<2000x128xf32>
    %get3A_13 = arith.constant 0 : index
    %get3A_14 = arith.constant 0 : index
    %get3A_15 = vector.load %arg3[%get3A_13, %get3A_14] : memref<1x128xf32, #tpu.memory_space<vmem>>, vector<1x128xf32>
    %add3A_16 = vector.broadcast %get3A_15 : vector<1x128xf32> to vector<2000x128xf32>
    %add3A_17 = arith.addf %dot_general3A_12, %add3A_16 : vector<2000x128xf32>
    %gt3A = arith.constant 0.000000e+00 : f32
    %gt3A_18 = vector.broadcast %gt3A : f32 to vector<2000x128xf32>
    %gt3A_19 = arith.cmpf ogt, %add3A_17, %gt3A_18 : vector<2000x128xf32>
    %exp3A = math.exp %add3A_17 : vector<2000x128xf32>
    %sub3A = arith.constant 1.000000e+00 : f32
    %sub3A_20 = vector.broadcast %sub3A : f32 to vector<2000x128xf32>
    %sub3A_21 = arith.subf %exp3A, %sub3A_20 : vector<2000x128xf32>
    %mul3A = arith.constant 1.67326319 : f32
    %mul3A_22 = vector.broadcast %mul3A : f32 to vector<2000x128xf32>
    %mul3A_23 = arith.mulf %mul3A_22, %sub3A_21 : vector<2000x128xf32>
    %select_n3A = arith.select %gt3A_19, %add3A_17, %mul3A_23 : vector<2000x128xi1>, vector<2000x128xf32>
    %mul3A_24 = arith.constant 1.05070102 : f32
    %mul3A_25 = vector.broadcast %mul3A_24 : f32 to vector<2000x128xf32>
    %mul3A_26 = arith.mulf %mul3A_25, %select_n3A : vector<2000x128xf32>
    %get3A_27 = arith.constant 0 : index
    %get3A_28 = arith.constant 0 : index
    %get3A_29 = vector.load %arg4[%get3A_27, %get3A_28] : memref<128x128xf32, #tpu.memory_space<vmem>>, vector<128x128xf32>
    %dot_general3A_30 = arith.constant dense<0.000000e+00> : vector<2000x128xf32>
    %dot_general3A_31 = tpu.matmul %mul3A_26, %get3A_29, %dot_general3A_30 {dimension_numbers = #tpu.dot_dimension_numbers<[1], [0], [0], [1], [0, 0, 1, 1], [], []>, transpose_lhs_hint = false} : vector<2000x128xf32>, vector<128x128xf32>, vector<2000x128xf32> -> vector<2000x128xf32>
    %get3A_32 = arith.constant 0 : index
    %get3A_33 = arith.constant 0 : index
    %get3A_34 = vector.load %arg5[%get3A_32, %get3A_33] : memref<1x128xf32, #tpu.memory_space<vmem>>, vector<1x128xf32>
    %add3A_35 = vector.broadcast %get3A_34 : vector<1x128xf32> to vector<2000x128xf32>
    %add3A_36 = arith.addf %dot_general3A_31, %add3A_35 : vector<2000x128xf32>
    %get3A_37 = arith.constant 0 : index
    %get3A_38 = arith.constant 0 : index
    %get3A_39 = vector.load %arg6[%get3A_37, %get3A_38] : memref<128x42xf32, #tpu.memory_space<vmem>>, vector<128x42xf32>
    %dot_general3A_40 = arith.constant dense<0.000000e+00> : vector<2000x42xf32>
    %dot_general3A_41 = tpu.matmul %add3A_36, %get3A_39, %dot_general3A_40 {dimension_numbers = #tpu.dot_dimension_numbers<[1], [0], [0], [1], [0, 0, 1, 1], [], []>, transpose_lhs_hint = false} : vector<2000x128xf32>, vector<128x42xf32>, vector<2000x42xf32> -> vector<2000x42xf32>
    %get3A_42 = arith.constant 0 : index
    %get3A_43 = arith.constant 0 : index
    %get3A_44 = vector.load %arg7[%get3A_42, %get3A_43] : memref<1x42xf32, #tpu.memory_space<vmem>>, vector<1x42xf32>
    %add3A_45 = vector.broadcast %get3A_44 : vector<1x42xf32> to vector<2000x42xf32>
    %add3A_46 = arith.addf %dot_general3A_41, %add3A_45 : vector<2000x42xf32>
    %gt3A_47 = arith.constant 0.000000e+00 : f32
    %gt3A_48 = vector.broadcast %gt3A_47 : f32 to vector<2000x42xf32>
    %gt3A_49 = arith.cmpf ogt, %add3A_46, %gt3A_48 : vector<2000x42xf32>
    %exp3A_50 = math.exp %add3A_46 : vector<2000x42xf32>
    %sub3A_51 = arith.constant 1.000000e+00 : f32
    %sub3A_52 = vector.broadcast %sub3A_51 : f32 to vector<2000x42xf32>
    %sub3A_53 = arith.subf %exp3A_50, %sub3A_52 : vector<2000x42xf32>
    %mul3A_54 = arith.constant 1.67326319 : f32
    %mul3A_55 = vector.broadcast %mul3A_54 : f32 to vector<2000x42xf32>
    %mul3A_56 = arith.mulf %mul3A_55, %sub3A_53 : vector<2000x42xf32>
    %select_n3A_57 = arith.select %gt3A_49, %add3A_46, %mul3A_56 : vector<2000x42xi1>, vector<2000x42xf32>
    %mul3A_58 = arith.constant 1.05070102 : f32
    %mul3A_59 = vector.broadcast %mul3A_58 : f32 to vector<2000x42xf32>
    %mul3A_60 = arith.mulf %mul3A_59, %select_n3A_57 : vector<2000x42xf32>
    %get3A_61 = arith.constant 0 : index
    %get3A_62 = arith.constant 0 : index
    %get3A_63 = vector.load %arg8[%get3A_61, %get3A_62] : memref<42x1xf32, #tpu.memory_space<vmem>>, vector<42x1xf32>
    %dot_general3A_64 = arith.constant dense<0.000000e+00> : vector<2000x1xf32>
    %dot_general3A_65 = tpu.matmul %mul3A_60, %get3A_63, %dot_general3A_64 {dimension_numbers = #tpu.dot_dimension_numbers<[1], [0], [0], [1], [0, 0, 1, 1], [], []>, transpose_lhs_hint = false} : vector<2000x42xf32>, vector<42x1xf32>, vector<2000x1xf32> -> vector<2000x1xf32>
    %get3A_66 = arith.constant 0 : index
    %get3A_67 = arith.constant 0 : index
    %get3A_68 = vector.load %arg9[%get3A_66, %get3A_67] : memref<1x1xf32, #tpu.memory_space<vmem>>, vector<1x1xf32>
    %add3A_69 = vector.broadcast %get3A_68 : vector<1x1xf32> to vector<2000x1xf32>
    %add3A_70 = arith.addf %dot_general3A_65, %add3A_69 : vector<2000x1xf32>
    %swap3A = arith.constant 0 : index
    %swap3A_71 = arith.constant 0 : index
    %swap3A_72 = vector.load %arg10[%swap3A, %swap3A_71] : memref<2000x1xf32, #tpu.memory_space<vmem>>, vector<2000x1xf32>
    tpu.vector_store %arg10[%swap3A, %swap3A_71], %add3A_70 {strides = array<i32>} : memref<2000x1xf32, #tpu.memory_space<vmem>>, vector<2000x1xf32>,
    return
  }
  func.func @transform_0(%arg0: i32) -> (i32, i32, i32) {
    %c0_i32 = arith.constant 0 : i32
    %c0_i32_0 = arith.constant 0 : i32
    %c0_i32_1 = arith.constant 0 : i32
    return %c0_i32, %arg0, %c0_i32_0 : i32, i32, i32
  }
  func.func @transform_1(%arg0: i32) -> (i32, i32) {
    %c0_i32 = arith.constant 0 : i32
    %c0_i32_0 = arith.constant 0 : i32
    %c0_i32_1 = arith.constant 0 : i32
    return %c0_i32, %c0_i32_0 : i32, i32
  }
  func.func @transform_2(%arg0: i32) -> (i32, i32) {
    %c0_i32 = arith.constant 0 : i32
    %c0_i32_0 = arith.constant 0 : i32
    %c0_i32_1 = arith.constant 0 : i32
    return %c0_i32, %c0_i32_0 : i32, i32
  }
  func.func @transform_3(%arg0: i32) -> (i32, i32) {
    %c0_i32 = arith.constant 0 : i32
    %c0_i32_0 = arith.constant 0 : i32
    %c0_i32_1 = arith.constant 0 : i32
    return %c0_i32, %c0_i32_0 : i32, i32
  }
  func.func @transform_4(%arg0: i32) -> (i32, i32) {
    %c0_i32 = arith.constant 0 : i32
    %c0_i32_0 = arith.constant 0 : i32
    %c0_i32_1 = arith.constant 0 : i32
    return %c0_i32, %c0_i32_0 : i32, i32
  }
  func.func @transform_5(%arg0: i32) -> (i32, i32) {
    %c0_i32 = arith.constant 0 : i32
    %c0_i32_0 = arith.constant 0 : i32
    %c0_i32_1 = arith.constant 0 : i32
    return %c0_i32, %c0_i32_0 : i32, i32
  }
  func.func @transform_6(%arg0: i32) -> (i32, i32) {
    %c0_i32 = arith.constant 0 : i32
    %c0_i32_0 = arith.constant 0 : i32
    %c0_i32_1 = arith.constant 0 : i32
    return %c0_i32, %c0_i32_0 : i32, i32
  }
  func.func @transform_7(%arg0: i32) -> (i32, i32) {
    %c0_i32 = arith.constant 0 : i32
    %c0_i32_0 = arith.constant 0 : i32
    %c0_i32_1 = arith.constant 0 : i32
    return %c0_i32, %c0_i32_0 : i32, i32
  }
  func.func @transform_8(%arg0: i32) -> (i32, i32) {
    %c0_i32 = arith.constant 0 : i32
    %c0_i32_0 = arith.constant 0 : i32
    %c0_i32_1 = arith.constant 0 : i32
    return %c0_i32, %c0_i32_0 : i32, i32
  }
  func.func @transform_9(%arg0: i32) -> (i32, i32) {
    %c0_i32 = arith.constant 0 : i32
    %c0_i32_0 = arith.constant 0 : i32
    return %arg0, %c0_i32 : i32, i32
  }
}

</mosaic_0001>

<sc_bundles>
// kernel: kernel.4.cloned.1.call-start
scs
__scs_entry_jumppad:
0x0: {  	(pc) =	sbr.rel $0x88, $3  }
0x1: {  	(tag) =	ssettag $0x0;
	lr =	simm.s32 $0x1  }
0x2: {  	[smem:$0x3F97] =	sst lr;
	_ =	strace $0xD0000000  }
0x3: {  	_ = 	snop  }
0x4: {  	_ = 	snop  }
0x5: {  	_ = 	snop  }
0x6: {  	_ = 	snop  }
0x7: {  	_ = 	snop  }
__scs_overlays_trampoline_lowered:
0x8: {  	[smem:$0x3FA6] =	sst s0  }
0x9: {  	[smem:$0x3FA7] =	sst s1  }
0xa: {  	[smem:$0x3FA8] =	sst s2  }
0xb: {  	[smem:$0x3FA9] =	sst s3  }
0xc: {  	[smem:$0x3FAA] =	sst s4  }
0xd: {  	[smem:$0x3FAB] =	sst s5  }
0xe: {  	[smem:$0x3FAC] =	sst s6  }
0xf: {  	[smem:$0x3FAD] =	sst s7  }
0x10: {  	[smem:$0x3FAE] =	sst s8  }
0x11: {  	[smem:$0x3FAF] =	sst s9;
	s0 =	simm.s32 @!p0 $0x0  }
0x12: {  	s1 =	sld [smem:$0x3F95];
	s0 =	simm.s32 @p0 $0x1  }
0x13: {  	[smem:$0x3FB0] =	sst s0;
	s0 =	simm.s32 @!p1 $0x0  }
0x14: {  	s2 =	sld [smem:$0x3F94];
	s0 =	simm.s32 @p1 $0x1  }
0x15: {  	[smem:$0x3FB1] =	sst s0;
	s0 =	simm.s32 @!p2 $0x0  }
0x16: {  	s3 =	sld [smem:$0x3FDB];
	s0 =	simm.s32 @p2 $0x1  }
0x17: {  	s4 =	simm.s32 $0x1BF5;
	[smem:$0x3FB3] =	sst s0  }
0x18: {  	s0 =	sld [smem:$0x3F96];
	_ =	swait.ge [sflag:s4], $0x0  }
0x19: {  	s7 =	sld [smem:$0x3F97]  }
0x1a: {  	s8 =	sadd.s32 $0xFFFFE003, lr  }
0x1b: {  	s9 =	sadd.s32 $0xFFFFFEF7, lr;
	s5 =	simm.s32 $0xFFFFFFFF;
	p2 =	slt.u32 s8, $0xFFFFF086  }
0x1c: {  	p1 =	slt.u32 s9, $0xF7A;
	s5 =	simm.s32 @!p2 $0x0  }
0x1d: {  	s5 =	simm.s32 @p1 $0x1;
	p0 =	seq.s32 s7, s2  }
0x1e: {  	s7 =	smul.u32 @!p0 $0xF7A, s2;
	p2 =	seq.s32 @!p0 s5, $0x0  }
0x1f: {  	s9 =	smul.u32 $0xF7A, s1;
	s8 =	simm.s32 @!p0 $0x1BF5;
	p2 =	por !p2, p0  }
0x20: {  	[sflag:s8] =	ssyncset.s32 @!p0 $0xFFFFF086;
	s6 =	sadd.s32 @!p0 s3, s7;
	s7 =	simm.s32 @!p0 $0x108  }
0x21: {  	s3 =	sadd.s32 s3, s9;
	s6 =	sadd.s32 @!p0 $0x88, s6;
	s7 =	simm.s32 @p2 $0x1082  }
0x22: {  	[simem:s7], [sflag:s8] =	dma.local @!p0 [hbm:s6], $0xF7A  }
0x23: {  	s9 =	sor.u32 $0xD0000000, s2;
	s6 =	simm.s32 $0x108;
	_ =	swait.ge @!p0 [sflag:s8], $0x0  }
0x24: {  	s3 =	sadd.s32 $0x88, s3;
	s6 =	simm.s32 @!p1 $0x1082;
	[sflag:s4] =	ssyncset.s32 $0xFFFFF086  }
0x25: {  	[simem:s6], [sflag:s4] =	dma.local [hbm:s3], $0xF7A  }
0x26: {  	[smem:$0x3F97] =	sst s1;
	(tag) =	ssettag s2;
	_ =	strace s9  }
0x27: {  	s1 =	sld [smem:$0x3FA7]  }
0x28: {  	s2 =	sld [smem:$0x3FA8]  }
0x29: {  	s4 =	sld [smem:$0x3FAA]  }
0x2a: {  	p0 =	seq.s32 s5, $0x0;
	s5 =	sld [smem:$0x3FAB]  }
0x2b: {  	s6 =	sld [smem:$0x3FAC]  }
0x2c: {  	s7 =	sld [smem:$0x3FAD]  }
0x2d: {  	s3 =	simm.s32 $0x108;
	s8 =	sld [smem:$0x3FAE]  }
0x2e: {  	s3 =	simm.s32 @!p0 $0x1082;
	s9 =	sld [smem:$0x3FAF]  }
0x2f: {  	lr =	sadd.s32 s0, s3;
	s0 =	sld [smem:$0x3FA6]  }
0x30: {  	s3 =	sld [smem:$0x3FA9]  }
0x31: {  	[smem:$0x3FB2] =	sst s10  }
0x32: {  	s10 =	sld [smem:$0x3FB0];
	_ =	sdelay $0x3  }
0x33: {  	p0 =	seq.s32 s10, $0x1;
	s10 =	sld [smem:$0x3FB2];
	_ =	sdelay $0x3  }
0x34: {  	[smem:$0x3FB2] =	sst s10  }
0x35: {  	s10 =	sld [smem:$0x3FB1];
	_ =	sdelay $0x3  }
0x36: {  	p1 =	seq.s32 s10, $0x1;
	s10 =	sld [smem:$0x3FB2];
	_ =	sdelay $0x3  }
0x37: {  	[smem:$0x3FB2] =	sst s10  }
0x38: {  	s10 =	sld [smem:$0x3FB3]  }
0x39: {  	_ = 	snop;
	(pc) =	sbr.ind lr, $3  }
0x3a: {  	_ = 	snop  }
0x3b: {  	_ = 	snop  }
0x3c: {  	p2 =	seq.s32 s10, $0x1;
	s10 =	sld [smem:$0x3FB2]  }
0x3d: {  	_ =	shalt  }
0x3e: {  	_ =	shalt  }
0x3f: {  	_ =	shalt  }
0x40: {  	_ =	shalt  }
0x41: {  	_ =	shalt  }
0x42: {  	_ =	shalt  }
0x43: {  	_ =	shalt  }
0x44: {  	_ =	shalt  }
0x45: {  	_ =	shalt  }
0x46: {  	_ =	shalt  }
0x47: {  	_ =	shalt  }
0x48: {  	_ =	shalt  }
0x49: {  	_ =	shalt  }
0x4a: {  	_ =	shalt  }
0x4b: {  	_ =	shalt  }
0x4c: {  	_ =	shalt  }
0x4d: {  	_ =	shalt  }
0x4e: {  	_ =	shalt  }
0x4f: {  	_ =	shalt  }
0x50: {  	_ =	shalt  }
0x51: {  	_ =	shalt  }
0x52: {  	_ =	shalt  }
0x53: {  	_ =	shalt  }
0x54: {  	_ =	shalt  }
0x55: {  	_ =	shalt  }
0x56: {  	_ =	shalt  }
0x57: {  	_ =	shalt  }
0x58: {  	_ =	shalt  }
0x59: {  	_ =	shalt  }
0x5a: {  	_ =	shalt  }
0x5b: {  	_ =	shalt  }
0x5c: {  	_ =	shalt  }
0x5d: {  	_ =	shalt  }
0x5e: {  	_ =	shalt  }
0x5f: {  	_ =	shalt  }
0x60: {  	_ =	shalt  }
0x61: {  	_ =	shalt  }
0x62: {  	_ =	shalt  }
0x63: {  	_ =	shalt  }
0x64: {  	_ =	shalt  }
0x65: {  	_ =	shalt  }
0x66: {  	_ =	shalt  }
0x67: {  	_ =	shalt  }
0x68: {  	_ =	shalt  }
0x69: {  	_ =	shalt  }
0x6a: {  	_ =	shalt  }
0x6b: {  	_ =	shalt  }
0x6c: {  	_ =	shalt  }
0x6d: {  	_ =	shalt  }
0x6e: {  	_ =	shalt  }
0x6f: {  	_ =	shalt  }
0x70: {  	_ =	shalt  }
0x71: {  	_ =	shalt  }
0x72: {  	_ =	shalt  }
0x73: {  	_ =	shalt  }
0x74: {  	_ =	shalt  }
0x75: {  	_ =	shalt  }
0x76: {  	_ =	shalt  }
0x77: {  	_ =	shalt  }
0x78: {  	_ =	shalt  }
0x79: {  	_ =	shalt  }
0x7a: {  	_ =	shalt  }
0x7b: {  	_ =	shalt  }
0x7c: {  	_ =	shalt  }
0x7d: {  	_ =	shalt  }
0x7e: {  	_ =	shalt  }
0x7f: {  	_ =	shalt  }
0x80: {  	_ =	shalt  }
0x81: {  	_ =	shalt  }
0x82: {  	_ =	shalt  }
0x83: {  	_ =	shalt  }
0x84: {  	_ =	shalt  }
0x85: {  	_ =	shalt  }
0x86: {  	_ =	shalt  }
0x87: {  	_ =	shalt  }
.Lfunc_end0:
.L_simem_size_0:
called_computation_lowered:
.L_overlay_start_0:
0x88: {  	s2 =	sld [smem:$0x3FD9]  }
0x89: {  	s3 =	sld [smem:$0x3FFE];
	_ =	sdelay $0x1  }
0x8a: {  	s1 =	srdreg.scid  }
0x8b: {  	s0 =	sand.u32 $0x1, s1  }
0x8c: {  	s17 =	sshll.u32 s0, $0xA;
	s2 =	sadd.s32 s3, s2  }
0x8d: {  	s2 =	sadd.s32 s2, s17  }
0x8e: {  	[smem:$0x3FBE] =	sst s2  }
0x8f: {  	_ = 	snop  }
0x90: {  	s2 =	sld [smem:$0x3FC9];
	(tm) =	ssettm $0x1  }
0x91: {  	s18 =	sld [smem:$0x3FFB];
	_ =	sdelay $0x3  }
0x92: {  	_ =	strace s18  }
0x93: {  	s3 =	sld [smem:$0x3FFC];
	_ =	sdelay $0x3  }
0x94: {  	_ =	strace s3  }
0x95: {  	s3 =	sld [smem:$0x3FFD];
	_ =	sdelay $0x3  }
0x96: {  	_ =	strace s3  }
0x97: {  	_ =	strace $0x8FFFFFFF  }
0x98: {  	s19 =	sld [smem:$0x3FDB];
	_ =	sdelay $0x1  }
0x99: {  	s4 =	simm.s32 $_scs_section_size  }
0x9a: {  	s5 =	simm.s32 $_size__tile_overlayer_lowered;
	s6 =	simm.s32 $_tile_overlayer_lowered  }
0x9b: {  	s22 =	simm.s32 $0x1BFF;
	s21 =	sshll.u32 s6, $0x1;
	s3 =	sadd.s32 s4, s19  }
0x9c: {  	s7 =	simm.s32 $0x0;
	s20 =	sshll.u32 s5, $0x1;
	s5 =	sadd.s32 s21, s3  }
0x9d: {  	[timem:s7], [sflag:s22] =	dma.local [hbm:s5], s20  }
0x9e: {  	_ =	swait.ge [sflag:s22], s20  }
0x9f: {  	s4 =	ssub.s32 $0x0, s20;
	[sflag:s22] =	ssyncset.done $0x0  }
0xa0: {  	[sflag:s22] =	ssyncadd.s32 s4;
	_ =	sdelay $0x1  }
0xa1: {  	s23 =	simm.s32 $0x1B8B  }
0xa2: {  	_ =	swait.ge [sflag:s23], $0x1  }
0xa3: {  	[sflag:s23] =	ssyncset.done $0x0  }
0xa4: {  	s25 =	simm.s32 $0x1B8E;
	s24 =	sld [smem:$0x3FFE];
	[sflag:s23] =	ssyncadd.s32 $0xFFFFFFFF  }
0xa5: {  	s26 =	simm.s32 $execute0_lowered;
	[smem:$0x3FD2] =	sst s25  }
0xa6: {  	s5 =	sshll.u32 s26, $0x1;
	_ =	strace $0x80000046;
	[dreg:$0x1] =	wrdreg $0xFFFFFFFF  }
0xa7: {  	s28 =	simm.s32 $_size_execute0_lowered;
	s3 =	sadd.s32 s3, s5;
	[dreg:$0x0] =	wrdreg $0x0  }
0xa8: {  	s5 =	sshll.u32 s28, $0x1;
	[dreg:$0x2] =	wrdreg s3  }
0xa9: {  	[dreg:$0x3] =	wrdreg s5  }
0xaa: {  	[dreg:$0x4] =	wrdreg $0xC0  }
0xab: {  	_ =	task [dreg:s7], $0x5FFFF  }
0xac: {  	[dreg:$0x1] =	wrdreg $0xFFFFFFFF  }
0xad: {  	[dreg:$0x0] =	wrdreg $0x60  }
0xae: {  	[dreg:$0x2] =	wrdreg s2  }
0xaf: {  	[dreg:$0x3] =	wrdreg s24  }
0xb0: {  	[dreg:$0x4] =	wrdreg $0xA8000  }
0xb1: {  	[dreg:$0x5] =	wrdreg $0x9  }
0xb2: {  	_ =	task.clear_ibuf [dreg:s7], $0x6FFFF;
	_ =	strace $0x90000046  }
0xb3: {  	s29 =	simm.s32 $0x9;
	_ =	strace $0x80000048  }
0xb4: {  	_ =	swait.ge [sflag:s29], $0x1  }
0xb5: {  	[sflag:s29] =	ssyncadd.s32 $0xFFFFFFFF  }
0xb6: {  	_ =	strace $0x90000048  }
0xb7: {  	_ =	sfence  }
0xb8: {  	s30 =	sld [smem:$0x0];
	_ =	sdelay $0x2  }
0xb9: {  	s31 =	sshll.u32 s1, $0xD;
	s1 =	sshrl.u32 s1, $0x2  }
0xba: {  	s3 =	sand.u32 $0x4000, s31;
	s1 =	sadd.s32 s1, s30  }
0xbb: {  	s0 =	sor.u32 s3, s0;
	s1 =	sshll.u32 s1, $0x11  }
0xbc: {  	s0 =	sor.u32 s1, s0  }
0xbd: {  	s0 =	sadd.s32 $0x8F2B, s0  }
0xbe: {  	[sflag:s0] =	ssyncadd.remote.s32 $0x1  }
0xbf: {  	_ =	sfence.sel $0xFFFF  }
0xc0: {  	[dreg:$0x0] =	wrdreg $0xFFFFFFFF;
	(pc) =	sbr.abs _section_cstart, $3  }
0xc1: {  	[dreg:$0x1] =	wrdreg $0xFFFFFFFF  }
0xc2: {  	_ =	task.clear_ibuf [dreg:s7], $0x2FFFF;
	_ =	strace $0x9FFFFFFF  }
0xc3: {  	(tm) =	ssettm $0x7FFFFFFF  }
tec
execute0_lowered:
.L_overlay_start_1:
0x0: {  	(tag) =	ssettag $0x1  }
0x1: {  	s1 =	rddreg [dreg:$0x0]  }
0x2: {  	s0 =	srdreg.scid;
	s4 =	rddreg [dreg:$0x1]  }
0x3: {  	s19 =	stileid.u32;
	s2 =	rddreg [dreg:$0x2]  }
0x4: {  	s28 =	simm.s32 $0x1;
	s29 =	simm.s32 $0x2;
	s30 =	simm.s32 $0x2780  }
0x5: {  	s0 =	sand.u32 $0x1, s0;
	s18 =	smul.u32 $0x4F000, s19;
	s17 =	sadd.s32 $0x15200, s4  }
0x6: {  	s24 =	smul.u32 $0x2780, s19;
	p0 =	seq.s32 s19, $0xF;
	s12 =	sadd.s32 $0x138800, s2  }
0x7: {  	s3 =	sshll.u32 s0, $0x4;
	s7 =	smul.u32 $0x27800, s0;
	s20 =	ssub.s32 $0x2, s0  }
0x8: {  	p1 =	seq.s32 s0, $0x0;
	s26 =	smul.u32 $0x280000, s0;
	s5 =	sor.u32 s19, s3  }
0x9: {  	s3 =	simm.s32 $0x0;
	s21 =	sshrl.u32 s20, $0x1;
	s22 =	sadd.s32 s1, s24  }
0xa: {  	s1 =	sadd.s32 $0x25080, s1;
	p1 =	por !p1, !p0;
	s6 =	smul.u32 $0x500, s5  }
0xb: {  	[smem:$0x7FF] =	sst s3;
	s15 =	sadd.s32 s7, s4;
	s16 =	ssub.s32 s20, s21  }
0xc: {  	s20 =	sadd.s32 $0x128400, s2;
	s25 =	smul.u32 $0x28000, s5;
	p1 =	por !p1, !p1  }
0xd: {  	s5 =	sadd.s32 s26, s17;
	_ =	strace $0x80000047;
	[dreg:$0x4] =	wrdreg s22  }
0xe: {  	s26 =	simm.s32 $0x6800;
	[dreg:$0x5] =	wrdreg s1;
	s31 =	sadd.s32 $0x515200, s15  }
0xf: {  	s15 =	smax.u32 s16, $0x1;
	s20 =	sshrl.u32 @p0 s20, $0x3;
	s22 =	simm.s32 $0x3  }
0x10: {  	p2 =	seq.s32 @!p1 s0, $0x0;
	s1 =	simm.s32 $0x0;
	s13 =	sadd.s32 s6, s4  }
0x11: {  	s6 =	sshrl.u32 s18, $0x2;
	s14 =	sadd.s32 s17, s25;
	s18 =	smul.u32 $0x28000, s19  }
0x12: {  	s24 =	sadd.s32 s24, s31;
	s25 =	simm.s32 $0x2800;
	p2 =	por p2, p1  }
0x13: {  	s4 =	sadd.s32 s6, s2;
	s23 =	sadd.s32 $0xB200, s13;
	s13 =	sadd.s32 $0x1200, s13  }
0x14: {  	s16 =	sadd.s32 $0x27000, s14;
	s17 =	sadd.s32 $0x27800, s14;
	[dreg:$0x6] =	wrdreg s23  }
0x15: {  	s8 =	sadd.s32 $0x4000, s4;
	s9 =	sadd.s32 $0x8000, s4;
	s10 =	sadd.s32 $0xC000, s4  }
0x16: {  	s11 =	sadd.s32 $0x10000, s4;
	s18 =	sadd.s32 s18, s5;
	s5 =	sshll.u32 @!p0 s19, $0x6  }
0x17: {  	v0 =	vimm.f32 $0.0e+00;
	s23 =	simm.s32 $0x80;
	s19 =	sadd.s32 $0x1000, s18;
	s21 =	sor.u32 @!p0 $0x1C03, s5  }
.LBB2_1:
0x18: {  	s0 =	simm.s32 @p0 $0x1FC3;
	s5 =	rddreg [dreg:$0x5]  }
0x19: {  	[spmem:s20], [sflag:s0] =	dma.local @p0 [hbm:s5], $0x2080  }
0x1a: {  	s0 =	simm.s32 @p0 $0x3  }
0x1b: {  	_ =	swait.ge @p0 [sflag:s0], $0x2080  }
0x1c: {  	[sflag:s0] =	ssyncset.done @p0 $0x0  }
0x1d: {  	s5 =	rddreg [dreg:$0x4];
	[sflag:s0] =	ssyncadd.s32 @p0 $0xFFFFDF80;
	s0 =	sshrl.u32 @!p0 s4, $0x3  }
0x1e: {  	[spmem:s0], [sflag:s21] =	dma.local @!p0 [hbm:s5], $0x2780  }
0x1f: {  	s0 =	simm.s32 @!p0 $0x3  }
0x20: {  	_ =	swait.ge @!p0 [sflag:s0], $0x2780  }
0x21: {  	[sflag:s0] =	ssyncset.done @!p0 $0x0  }
0x22: {  	[sflag:s0] =	ssyncadd.s32 @!p0 $0xFFFFD880  }
0x23: {  	[bflag:$0x0] =	sbarrier.arrive $0xFFFF  }
0x24: {  	s7 =	rddreg [dreg:$0x6]  }
0x25: {  	[tilespmem:s3], [sflag:$0x3] =	stream.linear.gather [hbm4b:s7+s3], $0x2800, $0x38;
	[tilespmem:$0x1E400] =	vst v63  }
0x26: {  	_ =	swait.ge [sflag:s22], $0x2800  }
0x27: {  	[sflag:s22] =	ssyncset.done $0x0  }
0x28: {  	[sflag:s22] =	ssyncadd.s32 $0xFFFFD800  }
0x29: {  	[tilespmem:s25], [sflag:$0x1] =	stream.indirect.gather [spmem:s2], $0x80, s3, s23, $0xb8;
	[tilespmem:$0x1E400] =	vst v63  }
0x2a: {  	s5 =	simm.s32 $0x80  }
0x2b: {  	[tilespmem:s26], [sflag:$0x2] =	stream.indirect.gather [spmem:s2], $0x80, s5, s23, $0xb8;
	[tilespmem:$0x1E400] =	vst v63  }
0x2c: {  	_ =	swait.ge [sflag:s28], $0x4000  }
0x2d: {  	[sflag:s28] =	ssyncset.done $0x0  }
0x2e: {  	s6 =	sadd.s32 $0x0, s18;
	[sflag:s28] =	ssyncadd.s32 $0xFFFFC000  }
0x2f: {  	[hbm4b:s6+s3] =	stream.linear.scatter [tilespmem:s25], [sflag:$0x3], $0x4000, $0x38;
	[tilespmem:$0x1E400] =	vst v63  }
0x30: {  	_ =	swait.ge [sflag:s22], $0x4000  }
0x31: {  	[sflag:s22] =	ssyncset.done $0x0  }
0x32: {  	s7 =	simm.s32 $0x100;
	[sflag:s22] =	ssyncadd.s32 $0xFFFFC000  }
0x33: {  	[tilespmem:s25], [sflag:$0x1] =	stream.indirect.gather [spmem:s2], $0x80, s7, s23, $0xb8;
	[tilespmem:$0x1E400] =	vst v63  }
0x34: {  	_ =	swait.ge [sflag:s29], $0x4000  }
0x35: {  	[sflag:s29] =	ssyncset.done $0x0  }
0x36: {  	s0 =	sadd.s32 $0x800, s6;
	[sflag:s29] =	ssyncadd.s32 $0xFFFFC000  }
0x37: {  	[hbm4b:s0+s3] =	stream.linear.scatter [tilespmem:s26], [sflag:$0x3], $0x4000, $0x38;
	[tilespmem:$0x1E400] =	vst v63  }
0x38: {  	s31 =	simm.s32 $0x200;
	_ =	swait.ge [sflag:s22], $0x4000  }
0x39: {  	s5 =	simm.s32 $0x2000;
	s0 =	simm.s32 $0x1000;
	[sflag:s22] =	ssyncset.done $0x0  }
.LBB2_2:
0x3a: {  	p3 =	sne.s32 s5, $0x26000;
	s6 =	sadd.s32 $0xFFFFFF80, s31;
	[sflag:s22] =	ssyncadd.s32 $0xFFFFC000  }
0x3b: {  	[tilespmem:s26], [sflag:$0x2] =	stream.indirect.gather [spmem:s2], $0x80, s6, s23, $0xb8;
	[tilespmem:$0x1E400] =	vst v63  }
0x3c: {  	s6 =	smov.u32 s5;
	s5 =	sadd.s32 $0x1000, s5;
	_ =	swait.ge [sflag:s28], $0x4000  }
0x3d: {  	[sflag:s28] =	ssyncset.done $0x0  }
0x3e: {  	s7 =	sadd.s32 s0, s18;
	s0 =	smov.u32 s6;
	[sflag:s28] =	ssyncadd.s32 $0xFFFFC000  }
0x3f: {  	[hbm4b:s7+s3] =	stream.linear.scatter [tilespmem:s25], [sflag:$0x3], $0x4000, $0x38;
	[tilespmem:$0x1E400] =	vst v63  }
0x40: {  	_ =	swait.ge [sflag:s22], $0x4000  }
0x41: {  	[sflag:s22] =	ssyncset.done $0x0  }
0x42: {  	[sflag:s22] =	ssyncadd.s32 $0xFFFFC000  }
0x43: {  	[tilespmem:s25], [sflag:$0x1] =	stream.indirect.gather [spmem:s2], $0x80, s31, s23, $0xb8;
	[tilespmem:$0x1E400] =	vst v63  }
0x44: {  	_ =	swait.ge [sflag:s29], $0x4000  }
.Ltmp0:
0x45: {  	[sflag:s29] =	ssyncset.done $0x0;
	(pc) =	sbr.rel @p3 .LBB2_2-.Ltmp0, $4  }
0x46: {  	s6 =	sadd.s32 $0x800, s7;
	[sflag:s29] =	ssyncadd.s32 $0xFFFFC000  }
0x47: {  	[hbm4b:s6+s3] =	stream.linear.scatter [tilespmem:s26], [sflag:$0x3], $0x4000, $0x38;
	[tilespmem:$0x1E400] =	vst v63  }
0x48: {  	_ =	swait.ge [sflag:s22], $0x4000  }
0x49: {  	s31 =	sadd.s32 $0x100, s31;
	[sflag:s22] =	ssyncset.done $0x0  }
0x4a: {  	s5 =	sadd.s32 $0xFFFFFF80, s31;
	[sflag:s22] =	ssyncadd.s32 $0xFFFFC000  }
0x4b: {  	[tilespmem:s26], [sflag:$0x2] =	stream.indirect.gather [spmem:s2], $0x80, s5, s23, $0xb8;
	[tilespmem:$0x1E400] =	vst v63  }
0x4c: {  	_ =	swait.ge [sflag:s28], $0x4000  }
0x4d: {  	[sflag:s28] =	ssyncset.done $0x0  }
0x4e: {  	s0 =	sadd.s32 s0, s18;
	[sflag:s28] =	ssyncadd.s32 $0xFFFFC000  }
0x4f: {  	[hbm4b:s0+s3] =	stream.linear.scatter [tilespmem:s25], [sflag:$0x3], $0x4000, $0x38;
	[tilespmem:$0x1E400] =	vst v63  }
0x50: {  	_ =	swait.ge [sflag:s22], $0x4000  }
0x51: {  	[sflag:s22] =	ssyncset.done $0x0  }
0x52: {  	[sflag:s22] =	ssyncadd.s32 $0xFFFFC000  }
0x53: {  	[tilespmem:s25], [sflag:$0x1] =	stream.indirect.gather [spmem:s2], $0x80, s31, s23, $0xb8;
	[tilespmem:$0x1E400] =	vst v63  }
0x54: {  	_ =	swait.ge [sflag:s29], $0x4000  }
0x55: {  	[sflag:s29] =	ssyncset.done $0x0  }
0x56: {  	s0 =	sadd.s32 $0x800, s0;
	[sflag:s29] =	ssyncadd.s32 $0xFFFFC000  }
0x57: {  	[hbm4b:s0+s3] =	stream.linear.scatter [tilespmem:s26], [sflag:$0x3], $0x4000, $0x38;
	[tilespmem:$0x1E400] =	vst v63  }
0x58: {  	_ =	swait.ge [sflag:s22], $0x4000  }
0x59: {  	[sflag:s22] =	ssyncset.done $0x0  }
0x5a: {  	[sflag:s22] =	ssyncadd.s32 $0xFFFFC000  }
0x5b: {  	[tilespmem:s26], [sflag:$0x2] =	stream.indirect.gather [spmem:s2], $0x80, s30, s23, $0xb8;
	[tilespmem:$0x1E400] =	vst v63  }
0x5c: {  	_ =	swait.ge [sflag:s28], $0x4000  }
0x5d: {  	[sflag:s28] =	ssyncset.done $0x0  }
0x5e: {  	s31 =	simm.s32 $0x0;
	[sflag:s28] =	ssyncadd.s32 $0xFFFFC000  }
0x5f: {  	[hbm4b:s16+s31] =	stream.linear.scatter [tilespmem:s25], [sflag:$0x3], $0x4000, $0x38;
	[tilespmem:$0x1E400] =	vst v63  }
0x60: {  	_ =	swait.ge [sflag:s22], $0x4000  }
0x61: {  	[sflag:s22] =	ssyncset.done $0x0  }
0x62: {  	[sflag:s22] =	ssyncadd.s32 $0xFFFFC000  }
0x63: {  	_ =	swait.ge [sflag:s29], $0x4000  }
0x64: {  	[sflag:s29] =	ssyncset.done $0x0  }
0x65: {  	[sflag:s29] =	ssyncadd.s32 $0xFFFFC000  }
0x66: {  	[hbm4b:s17+s31] =	stream.linear.scatter [tilespmem:s26], [sflag:$0x3], $0x4000, $0x38;
	[tilespmem:$0x1E400] =	vst v63  }
0x67: {  	_ =	swait.ge [sflag:s22], $0x4000  }
0x68: {  	[sflag:s22] =	ssyncset.done $0x0  }
0x69: {  	[sflag:s22] =	ssyncadd.s32 $0xFFFFC000  }
0x6a: {  	s5 =	simm.s32 $0x200;
	s0 =	simm.s32 $0x0;
	[bflag:$0x0] =	sbarrier.arrive $0xFFFF  }
.LBB2_4:
0x6b: {  	p3 =	sne.s32 s5, $0xFE00;
	[tilespmem:s0+$0x2870] =	vst v0  }
0x6c: {  	[tilespmem:s0+$0x2800] =	vst v0  }
0x6d: {  	[tilespmem:s0+$0x2810] =	vst v0  }
.Ltmp1:
0x6e: {  	[tilespmem:s0+$0x2820] =	vst v0;
	(pc) =	sbr.rel @p3 .LBB2_4-.Ltmp1, $4  }
0x6f: {  	[tilespmem:s0+$0x2830] =	vst v0  }
0x70: {  	[tilespmem:s0+$0x2840] =	vst v0  }
0x71: {  	[tilespmem:s0+$0x2850] =	vst v0  }
0x72: {  	[tilespmem:s0+$0x2860] =	vst v0;
	s0 =	sshra.s32 s5, $0x2;
	s5 =	sadd.s32 $0x200, s5  }
0x73: {  	[tilespmem:s0+$0x2870] =	vst v0  }
0x74: {  	[tilespmem:s0+$0x2800] =	vst v0  }
0x75: {  	[tilespmem:s0+$0x2810] =	vst v0  }
0x76: {  	[tilespmem:s0+$0x2820] =	vst v0  }
0x77: {  	[tilespmem:s0+$0x2830] =	vst v0  }
0x78: {  	[tilespmem:s0+$0x2840] =	vst v0  }
0x79: {  	[tilespmem:s0+$0x2850] =	vst v0  }
0x7a: {  	[tilespmem:s0+$0x2860] =	vst v0;
	s0 =	simm.s32 @!p2 $0x2800;
	s5 =	simm.s32 @!p2 $0x3  }
0x7b: {  	[spmem:s4] =	stream.linear.scatter @!p2 [tilespmem:s0], [sflag:$0x3], $0x4000, $0x38;
	[tilespmem:$0x1E400] =	vst v63  }
0x7c: {  	_ =	swait.ge @!p2 [sflag:s5], $0x4000  }
0x7d: {  	[sflag:s5] =	ssyncset.done @!p2 $0x0  }
0x7e: {  	[sflag:s5] =	ssyncadd.s32 @!p2 $0xFFFFC000  }
0x7f: {  	[spmem:s8] =	stream.linear.scatter @!p2 [tilespmem:s0], [sflag:$0x3], $0x4000, $0x38;
	[tilespmem:$0x1E400] =	vst v63  }
0x80: {  	_ =	swait.ge @!p2 [sflag:s5], $0x4000  }
0x81: {  	[sflag:s5] =	ssyncset.done @!p2 $0x0  }
0x82: {  	[sflag:s5] =	ssyncadd.s32 @!p2 $0xFFFFC000  }
0x83: {  	[spmem:s9] =	stream.linear.scatter @!p2 [tilespmem:s0], [sflag:$0x3], $0x4000, $0x38;
	[tilespmem:$0x1E400] =	vst v63  }
0x84: {  	_ =	swait.ge @!p2 [sflag:s5], $0x4000  }
0x85: {  	[sflag:s5] =	ssyncset.done @!p2 $0x0  }
0x86: {  	[sflag:s5] =	ssyncadd.s32 @!p2 $0xFFFFC000  }
0x87: {  	[spmem:s10] =	stream.linear.scatter @!p2 [tilespmem:s0], [sflag:$0x3], $0x4000, $0x38;
	[tilespmem:$0x1E400] =	vst v63  }
0x88: {  	_ =	swait.ge @!p2 [sflag:s5], $0x4000  }
0x89: {  	[sflag:s5] =	ssyncset.done @!p2 $0x0  }
0x8a: {  	[sflag:s5] =	ssyncadd.s32 @!p2 $0xFFFFC000  }
0x8b: {  	[spmem:s11] =	stream.linear.scatter @!p2 [tilespmem:s0], [sflag:$0x3], $0x3C00, $0x38;
	[tilespmem:$0x1E400] =	vst v63  }
0x8c: {  	_ =	swait.ge @!p2 [sflag:s5], $0x3C00  }
0x8d: {  	[sflag:s5] =	ssyncset.done @!p2 $0x0  }
0x8e: {  	s0 =	simm.s32 @p1 $0x2800;
	[sflag:s5] =	ssyncadd.s32 @!p2 $0xFFFFC400  }
0x8f: {  	[spmem:s12] =	stream.linear.scatter @p1 [tilespmem:s0], [sflag:$0x3], $0x3800, $0x38;
	[tilespmem:$0x1E400] =	vst v63  }
0x90: {  	s0 =	simm.s32 @p1 $0x3  }
0x91: {  	_ =	swait.ge @p1 [sflag:s0], $0x3800  }
0x92: {  	[sflag:s0] =	ssyncset.done @p1 $0x0  }
0x93: {  	s7 =	simm.s32 $0x0;
	[sflag:s0] =	ssyncadd.s32 @p1 $0xFFFFC800  }
0x94: {  	[tilespmem:s7], [sflag:$0x3] =	stream.linear.gather [hbm4b:s13+s7], $0x2800, $0x38;
	[tilespmem:$0x1E400] =	vst v63  }
0x95: {  	_ =	swait.ge [sflag:s22], $0x2800  }
0x96: {  	[sflag:s22] =	ssyncset.done $0x0  }
0x97: {  	[sflag:s22] =	ssyncadd.s32 $0xFFFFD800  }
0x98: {  	[bflag:$0x0] =	sbarrier.arrive $0xFFFF  }
0x99: {  	[tilespmem:s25], [sflag:$0x1] =	stream.linear.gather [hbm4b:s14+s7], $0x4000, $0x38;
	[tilespmem:$0x1E400] =	vst v63  }
0x9a: {  	s5 =	sadd.s32 $0xFFFFF800, s19  }
0x9b: {  	[tilespmem:s26], [sflag:$0x2] =	stream.linear.gather [hbm4b:s5+s3], $0x4000, $0x38;
	[tilespmem:$0x1E400] =	vst v63  }
0x9c: {  	_ =	swait.ge [sflag:s28], $0x4000  }
0x9d: {  	[sflag:s28] =	ssyncset.done $0x0  }
0x9e: {  	s6 =	simm.s32 $0x0;
	[sflag:s28] =	ssyncadd.s32 $0xFFFFC000  }
0x9f: {  	[spmem:s2] =	stream.indirect.scatter.add.f32 [tilespmem:s25], [sflag:$0x3], $0x80, s6, s23, $0xb8;
	[tilespmem:$0x1E400] =	vst v63  }
0xa0: {  	_ =	swait.ge [sflag:s22], $0x4000  }
0xa1: {  	[sflag:s22] =	ssyncset.done $0x0  }
0xa2: {  	[sflag:s22] =	ssyncadd.s32 $0xFFFFC000  }
0xa3: {  	[tilespmem:s25], [sflag:$0x1] =	stream.linear.gather [hbm4b:s19+s3], $0x4000, $0x38;
	[tilespmem:$0x1E400] =	vst v63  }
0xa4: {  	_ =	swait.ge [sflag:s29], $0x4000  }
0xa5: {  	[sflag:s29] =	ssyncset.done $0x0  }
0xa6: {  	s7 =	simm.s32 $0x80;
	[sflag:s29] =	ssyncadd.s32 $0xFFFFC000  }
0xa7: {  	[spmem:s2] =	stream.indirect.scatter.add.f32 [tilespmem:s26], [sflag:$0x3], $0x80, s7, s23, $0xb8;
	[tilespmem:$0x1E400] =	vst v63  }
0xa8: {  	s31 =	sadd.s32 $0x1000, s19;
	_ =	swait.ge [sflag:s22], $0x4000  }
0xa9: {  	s0 =	simm.s32 $0x400;
	s5 =	simm.s32 $0x800;
	[sflag:s22] =	ssyncset.done $0x0  }
.LBB2_6:
0xaa: {  	p3 =	sne.s32 s5, $0x9800;
	s6 =	sadd.s32 $0xFFFFF800, s31;
	[sflag:s22] =	ssyncadd.s32 $0xFFFFC000  }
0xab: {  	[tilespmem:s26], [sflag:$0x2] =	stream.linear.gather [hbm4b:s6+s3], $0x4000, $0x38;
	[tilespmem:$0x1E400] =	vst v63  }
0xac: {  	s6 =	smov.u32 s5;
	s5 =	sadd.s32 $0x400, s5;
	_ =	swait.ge [sflag:s28], $0x4000  }
0xad: {  	[sflag:s28] =	ssyncset.done $0x0  }
0xae: {  	s7 =	sshra.s32 s0, $0x2;
	s0 =	smov.u32 s6;
	[sflag:s28] =	ssyncadd.s32 $0xFFFFC000  }
0xaf: {  	[spmem:s2] =	stream.indirect.scatter.add.f32 [tilespmem:s25], [sflag:$0x3], $0x80, s7, s23, $0xb8;
	[tilespmem:$0x1E400] =	vst v63  }
0xb0: {  	_ =	swait.ge [sflag:s22], $0x4000  }
0xb1: {  	[sflag:s22] =	ssyncset.done $0x0  }
0xb2: {  	[sflag:s22] =	ssyncadd.s32 $0xFFFFC000  }
0xb3: {  	[tilespmem:s25], [sflag:$0x1] =	stream.linear.gather [hbm4b:s31+s3], $0x4000, $0x38;
	[tilespmem:$0x1E400] =	vst v63  }
0xb4: {  	_ =	swait.ge [sflag:s29], $0x4000  }
.Ltmp2:
0xb5: {  	[sflag:s29] =	ssyncset.done $0x0;
	(pc) =	sbr.rel @p3 .LBB2_6-.Ltmp2, $4  }
0xb6: {  	s6 =	sadd.s32 $0x80, s7;
	[sflag:s29] =	ssyncadd.s32 $0xFFFFC000  }
0xb7: {  	[spmem:s2] =	stream.indirect.scatter.add.f32 [tilespmem:s26], [sflag:$0x3], $0x80, s6, s23, $0xb8;
	[tilespmem:$0x1E400] =	vst v63  }
0xb8: {  	_ =	swait.ge [sflag:s22], $0x4000  }
0xb9: {  	s31 =	sadd.s32 $0x1000, s31;
	[sflag:s22] =	ssyncset.done $0x0  }
0xba: {  	s5 =	sadd.s32 $0xFFFFF800, s31;
	[sflag:s22] =	ssyncadd.s32 $0xFFFFC000  }
0xbb: {  	[tilespmem:s26], [sflag:$0x2] =	stream.linear.gather [hbm4b:s5+s3], $0x4000, $0x38;
	[tilespmem:$0x1E400] =	vst v63  }
0xbc: {  	_ =	swait.ge [sflag:s28], $0x4000  }
0xbd: {  	[sflag:s28] =	ssyncset.done $0x0  }
0xbe: {  	s0 =	sshra.s32 s0, $0x2;
	[sflag:s28] =	ssyncadd.s32 $0xFFFFC000  }
0xbf: {  	[spmem:s2] =	stream.indirect.scatter.add.f32 [tilespmem:s25], [sflag:$0x3], $0x80, s0, s23, $0xb8;
	[tilespmem:$0x1E400] =	vst v63  }
0xc0: {  	_ =	swait.ge [sflag:s22], $0x4000  }
0xc1: {  	[sflag:s22] =	ssyncset.done $0x0  }
0xc2: {  	[sflag:s22] =	ssyncadd.s32 $0xFFFFC000  }
0xc3: {  	[tilespmem:s25], [sflag:$0x1] =	stream.linear.gather [hbm4b:s31+s3], $0x4000, $0x38;
	[tilespmem:$0x1E400] =	vst v63  }
0xc4: {  	_ =	swait.ge [sflag:s29], $0x4000  }
0xc5: {  	[sflag:s29] =	ssyncset.done $0x0  }
0xc6: {  	s0 =	sadd.s32 $0x80, s0;
	[sflag:s29] =	ssyncadd.s32 $0xFFFFC000  }
0xc7: {  	[spmem:s2] =	stream.indirect.scatter.add.f32 [tilespmem:s26], [sflag:$0x3], $0x80, s0, s23, $0xb8;
	[tilespmem:$0x1E400] =	vst v63  }
0xc8: {  	_ =	swait.ge [sflag:s22], $0x4000  }
0xc9: {  	[sflag:s22] =	ssyncset.done $0x0  }
0xca: {  	[sflag:s22] =	ssyncadd.s32 $0xFFFFC000  }
0xcb: {  	[tilespmem:s26], [sflag:$0x2] =	stream.linear.gather [hbm4b:s17+s3], $0x4000, $0x38;
	[tilespmem:$0x1E400] =	vst v63  }
0xcc: {  	_ =	swait.ge [sflag:s28], $0x4000  }
0xcd: {  	[sflag:s28] =	ssyncset.done $0x0  }
0xce: {  	s6 =	simm.s32 $0x2700;
	[sflag:s28] =	ssyncadd.s32 $0xFFFFC000  }
0xcf: {  	[spmem:s2] =	stream.indirect.scatter.add.f32 [tilespmem:s25], [sflag:$0x3], $0x80, s6, s23, $0xb8;
	[tilespmem:$0x1E400] =	vst v63  }
0xd0: {  	_ =	swait.ge [sflag:s22], $0x4000  }
0xd1: {  	[sflag:s22] =	ssyncset.done $0x0  }
0xd2: {  	[sflag:s22] =	ssyncadd.s32 $0xFFFFC000  }
0xd3: {  	_ =	swait.ge [sflag:s29], $0x4000  }
0xd4: {  	[sflag:s29] =	ssyncset.done $0x0  }
0xd5: {  	[sflag:s29] =	ssyncadd.s32 $0xFFFFC000  }
0xd6: {  	[spmem:s2] =	stream.indirect.scatter.add.f32 [tilespmem:s26], [sflag:$0x3], $0x80, s30, s23, $0xb8;
	[tilespmem:$0x1E400] =	vst v63  }
0xd7: {  	s1 =	sadd.s32 $0x1, s1;
	_ =	swait.ge [sflag:s22], $0x4000  }
0xd8: {  	s7 =	stileid.u32;
	p3 =	sne.s32 s1, s15;
	[sflag:s22] =	ssyncset.done $0x0  }
0xd9: {  	s31 =	sshrl.u32 s4, $0x3;
	s0 =	sshll.u32 s7, $0x6;
	[sflag:s22] =	ssyncadd.s32 $0xFFFFC000  }
.Ltmp3:
0xda: {  	s0 =	sor.u32 $0x1C03, s0;
	[bflag:$0x0] =	sbarrier.arrive $0xFFFF;
	(pc) =	sbr.rel @p3 .LBB2_1-.Ltmp3, $4  }
0xdb: {  	[hbm:s24], [sflag:s0] =	dma.local [spmem:s31], $0x2780  }
0xdc: {  	_ =	swait.ge [sflag:s22], $0x2780  }
0xdd: {  	[sflag:s22] =	ssyncset.done $0x0  }
0xde: {  	[sflag:s22] =	ssyncadd.s32 $0xFFFFD880  }
0xdf: {  	_ =	sfence.sel $0x180000  }
0xe0: {  	[bflag:$0x0] =	sbarrier.arrive $0xFFFF  }
0xe1: {  	_ =	strace $0x90000047  }
0xe2: {  	s0 =	stileid.u32;
	[bflag:$0x2] =	sbarrier.arrive $0xFFFF  }
0xe3: {  	p0 =	sne.s32 s0, $0x0;
	s0 =	rddreg [dreg:$0x3]  }
0xe4: {  	s0 =	sadd.s32 @!p0 $0x100000, s0  }
0xe5: {  	[sflag:s0] =	ssyncadd.tile.s32 @!p0 $0x1;
	_ =	shalt  }
.Lfunc_end2:
_tile_overlayer_lowered:
.L_overlay_start_2:
0xe6: {  	(tag) =	ssettag $0x2  }
0xe7: {  	s0 =	rddreg [dreg:$0x0];
	s2 =	stileid.u32  }
0xe8: {  	s1 =	rddreg [dreg:$0x1];
	p0 =	sne.s32 s2, $0x0  }
0xe9: {  	s3 =	rddreg [dreg:$0x2];
	[bflag:$0x3] =	sbarrier.arrive $0xFFFF;
	s2 =	simm.s32 @!p0 $0x1C03  }
0xea: {  	[timem:s3], [sflag:s2] =	dma.local @!p0 [hbm:s0], s1  }
0xeb: {  	s0 =	simm.s32 @!p0 $0x3  }
0xec: {  	_ =	swait.ge @!p0 [sflag:s0], s1  }
0xed: {  	s1 =	ssub.s32 @!p0 $0x0, s1;
	[sflag:s0] =	ssyncset.done @!p0 $0x0  }
0xee: {  	[sflag:s0] =	ssyncadd.s32 @!p0 s1  }
0xef: {  	[bflag:$0x3] =	sbarrier.arrive $0xFFFF  }
0xf0: {  	_ =	shalt  }

</sc_bundles>
